<compile_context>
chip_gen: v7x
topology: tpu7x:2x2x1
jax: 0.10.2.dev20260603
libtpu: 0.0.44.dev20260713+nightly
codegen_flags: <defaults>
</compile_context>

<pallas_src>
import functools

import jax
import jax.numpy as jnp
import numpy as np
from jax import lax
from jax.experimental import pallas as pl
from jax.experimental.pallas import tpu as pltpu
from jax.experimental.pallas import tpu_sc as plsc

_N_BINS = 20
_NB_PAD = 32
_BOUNDS = [float(b) for b in np.linspace(0.0, 1.0, _N_BINS + 1).astype(np.float32)]

_NW = 32
_SC_CH = 128
_SC_W_ROWS = 6400
_N_SC = _NW * _SC_W_ROWS
_TC_ROWS = 1600
_TC_DEPTH = 8


def _make_bounds_col():
    b = np.full((_NB_PAD, 128), np.inf, dtype=np.float32)
    b[: _N_BINS + 1, 0] = np.linspace(0.0, 1.0, _N_BINS + 1).astype(np.float32)
    return b



def _tc_body(x_hbm, lab_hbm, b_ref, out_ref, xbuf, lbuf, xsem, lsem):
    n, c = x_hbm.shape
    chunk0 = _N_SC // _TC_ROWS
    nchunk = n // _TC_ROWS - chunk0

    def xcopy(i, slot):
        return pltpu.make_async_copy(
            x_hbm.at[pl.ds((chunk0 + i) * _TC_ROWS, _TC_ROWS), :], xbuf.at[slot],
            xsem.at[slot])

    def lcopy(i, slot):
        return pltpu.make_async_copy(
            lab_hbm.at[chunk0 + i], lbuf.at[slot], lsem.at[slot])

    for d in range(min(_TC_DEPTH, nchunk)):
        xcopy(d, d).start()
        lcopy(d, d).start()

    bounds = b_ref[...][:, 0:1]

    def loop(i, part):
        slot = jax.lax.rem(i, _TC_DEPTH)
        xcopy(i, slot).wait()
        lcopy(i, slot).wait()
        x = xbuf[slot]
        lab = lbuf[slot]
        xt = x.T
        conf = jnp.max(xt, axis=0, keepdims=True)
        pred = jnp.argmax(xt, axis=0).astype(jnp.int32)[None, :]
        acc = (pred == lab).astype(jnp.float32)

        m = (conf > bounds).astype(jnp.float32)
        vt = jnp.concatenate([jnp.ones_like(conf), conf, acc], axis=0)
        upd = jax.lax.dot_general(
            vt, m, (((1,), (1,)), ((), ())), preferred_element_type=jnp.float32)

        @pl.when(i + _TC_DEPTH < nchunk)
        def _():
            xcopy(i + _TC_DEPTH, slot).start()
            lcopy(i + _TC_DEPTH, slot).start()

        return part + upd

    part = jax.lax.fori_loop(
        0, nchunk, loop, jnp.zeros((3, _NB_PAD), jnp.float32))
    out_ref[...] = jnp.concatenate(
        [part, jnp.zeros((5, _NB_PAD), jnp.float32)], axis=0)


@jax.jit
def _tc_partial(softmaxes, labels):
    n, c = softmaxes.shape
    nchunk = n // _TC_ROWS
    lab3 = labels.reshape(nchunk, 1, _TC_ROWS)
    bounds_col = jnp.asarray(_make_bounds_col())
    out = pl.pallas_call(
        _tc_body,
        in_specs=[
            pl.BlockSpec(memory_space=pltpu.HBM),
            pl.BlockSpec(memory_space=pltpu.HBM),
            pl.BlockSpec(memory_space=pltpu.VMEM),
        ],
        out_specs=pl.BlockSpec(memory_space=pltpu.VMEM),
        out_shape=jax.ShapeDtypeStruct((8, _NB_PAD), jnp.float32),
        scratch_shapes=[
            pltpu.VMEM((_TC_DEPTH, _TC_ROWS, 100), jnp.float32),
            pltpu.VMEM((_TC_DEPTH, 1, _TC_ROWS), jnp.int32),
            pltpu.SemaphoreType.DMA((_TC_DEPTH,)),
            pltpu.SemaphoreType.DMA((_TC_DEPTH,)),
        ],
    )(softmaxes, lab3, bounds_col)
    return out[:3, :]



def _sc_body(x_hbm, lab_hbm, out_hbm, xbuf, lbuf, accum, xsem, lsem):
    nc = 2
    wid = lax.axis_index("s") * nc + lax.axis_index("c")
    row0 = wid * _SC_W_ROWS
    nchunk = _SC_W_ROWS // _SC_CH

    def xcopy(k, slot):
        return pltpu.make_async_copy(
            x_hbm.at[pl.ds(row0 + k * _SC_CH, _SC_CH), :], xbuf.at[slot],
            xsem.at[slot])

    def lcopy(k, slot):
        return pltpu.make_async_copy(
            lab_hbm.at[pl.ds(row0 + k * _SC_CH, _SC_CH)], lbuf.at[slot],
            lsem.at[slot])

    zero16 = jnp.zeros((16,), jnp.float32)
    for r in range(3):
        accum[r, pl.ds(0, 16)] = zero16
        accum[r, pl.ds(16, 16)] = zero16

    for d in range(2):
        xcopy(d, d).start()
        lcopy(d, d).start()

    lanes = lax.iota(jnp.int32, 16)

    def process_chunk(k, slot):
        def group_loop(g, carry2):
            rows = g * 16 + lanes

            def class_loop(cc, mx_arg):
                mx, arg = mx_arg
                v = plsc.load_gather(
                    xbuf.at[slot], [rows, jnp.full((16,), cc, jnp.int32)])
                better = v > mx
                mx = jnp.where(better, v, mx)
                arg = jnp.where(better, jnp.full((16,), cc, jnp.int32), arg)
                return (mx, arg)

            mx0 = jnp.full((16,), -jnp.inf, jnp.float32)
            arg0 = jnp.zeros((16,), jnp.int32)
            conf, pred = lax.fori_loop(0, 100, class_loop, (mx0, arg0))

            lab = lbuf[slot, pl.ds(g * 16, 16)]
            accv = jnp.where(pred == lab, 1.0, 0.0).astype(jnp.float32)

            idx = jnp.zeros((16,), jnp.int32)
            for b in _BOUNDS:
                idx = idx + jnp.where(conf > b, 1, 0).astype(jnp.int32)
            valid = (idx > 0) & (idx <= _N_BINS)
            bidx = jnp.where(valid, idx - 1, 0)
            ones = jnp.ones((16,), jnp.float32)
            plsc.addupdate_scatter(accum.at[0], [bidx], ones, mask=valid)
            plsc.addupdate_scatter(accum.at[1], [bidx], conf, mask=valid)
            plsc.addupdate_scatter(accum.at[2], [bidx], accv, mask=valid)
            return carry2

        lax.fori_loop(0, _SC_CH // 16, group_loop, 0)

    def pair_loop(j, carry):
        for b in range(2):
            k = 2 * j + b
            xcopy(k, b).wait()
            lcopy(k, b).wait()
            process_chunk(k, b)

            @pl.when(k + 2 < nchunk)
            def _():
                xcopy(k + 2, b).start()
                lcopy(k + 2, b).start()

        return carry

    lax.fori_loop(0, nchunk // 2, pair_loop, 0)

    pltpu.sync_copy(accum, out_hbm.at[wid])


@jax.jit
def _sc_partial(softmaxes, labels):
    mesh = plsc.VectorSubcoreMesh(core_axis_name="c", subcore_axis_name="s")
    kern = pl.kernel(
        _sc_body,
        out_type=jax.ShapeDtypeStruct((_NW, 3, _NB_PAD), jnp.float32),
        mesh=mesh,
        compiler_params=pltpu.CompilerParams(needs_layout_passes=False),
        scratch_types=[
            pltpu.VMEM((2, _SC_CH, 100), jnp.float32),
            pltpu.VMEM((2, _SC_CH), jnp.int32),
            pltpu.VMEM((3, _NB_PAD), jnp.float32),
            pltpu.SemaphoreType.DMA((2,)),
            pltpu.SemaphoreType.DMA((2,)),
        ],
    )
    return kern(softmaxes, labels)



def kernel(softmaxes, labels):
    n = softmaxes.shape[0]
    sc_part = _sc_partial(softmaxes, labels)
    tc_part = _tc_partial(softmaxes, labels)

    cum = tc_part
    per_bin_tc = (cum - jnp.concatenate([cum[:, 1:], cum[:, -1:]], axis=1))[:, :_N_BINS]
    per_bin_sc = jnp.sum(sc_part, axis=0)[:, :_N_BINS]
    cnt, sum_conf, sum_acc = tuple(per_bin_tc + per_bin_sc)

    denom = jnp.maximum(cnt, 1.0)
    nonzero = cnt > 0.0
    acc_bin = jnp.where(nonzero, sum_acc / denom, 0.0)
    conf_bin = jnp.where(nonzero, sum_conf / denom, 0.0)
    prop = cnt / float(n)
    ece = jnp.sum(jnp.where(nonzero, jnp.abs(conf_bin - acc_bin) * prop, 0.0),
                  keepdims=True)
    return ece, acc_bin

# --- scband reference (transcript-rebuilt; emitter-appended) ---
"""Pipeline reference for scband-eceloss-drl-75462575391108 (READ-ONLY COPY).

The authoritative reference and input builder live on the scoring server;
editing this copy changes nothing except your own understanding.
"""

import jax, jax.numpy as jnp
import numpy as np

N_BINS = 20
N = 1000000
C = 100


def setup_inputs(seed: int = 0) -> dict:
    key = jax.random.key(seed)
    k1, k2 = jax.random.split(key)
    softmaxes = jax.random.uniform(k1, (N, C), dtype=jnp.float32)
    labels = jax.random.randint(k2, (N,), 0, C, dtype=jnp.int32)
    return {"softmaxes": softmaxes, "labels": labels}


def reference(softmaxes, labels):
    confidences = jnp.max(softmaxes, axis=1)
    predictions = jnp.argmax(softmaxes, axis=1)
    accuracies = (predictions == labels.astype(predictions.dtype)).astype(jnp.float32)
    boundaries = np.linspace(0.0, 1.0, N_BINS + 1)
    n = confidences.shape[0]
    ece = jnp.zeros((1,), dtype=jnp.float32)
    ys = []
    for i in range(N_BINS):
        bin_lower = float(boundaries[i])
        bin_upper = float(boundaries[i + 1])
        in_bin = (confidences > bin_lower) & (confidences <= bin_upper)
        mask = in_bin.astype(jnp.float32)
        cnt = jnp.sum(mask)
        prop_in_bin = cnt / n
        denom = jnp.maximum(cnt, 1.0)
        accuracy_in_bin = jnp.where(cnt > 0, jnp.sum(accuracies * mask) / denom, 0.0)
        avg_confidence_in_bin = jnp.where(cnt > 0, jnp.sum(confidences * mask) / denom, 0.0)
        ece = ece + jnp.where(cnt > 0, jnp.abs(avg_confidence_in_bin - accuracy_in_bin) * prop_in_bin, 0.0)
        ys.append(accuracy_in_bin)
    return (ece, jnp.stack(ys))

if __name__ == "__main__":
    import jax
    _d = setup_inputs()
    print(jax.jit(kernel)(*tuple(_d.values())))

</pallas_src>

<mosaic_0001>
#map = affine_map<(d0, d1) -> (0, 0)>
#map1 = affine_map<(d0, d1) -> (0)>
#map2 = affine_map<(d0, d1) -> (0, 0, 0)>
module attributes {stable_mosaic.version = 14 : i64} {
  func.func @_sc_body(%arg0: i32, %arg1: i32, %arg2: memref<1000000x100xf32, #tpu.memory_space<hbm>>, %arg3: memref<1000000xi32, #tpu.memory_space<hbm>>, %arg4: memref<32x3x32xf32, #tpu.memory_space<hbm>>, %arg5: memref<2x128x100xf32, #tpu.memory_space<vmem>>, %arg6: memref<2x128xi32, #tpu.memory_space<vmem>>, %arg7: memref<3x32xf32, #tpu.memory_space<vmem>>, %arg8: memref<2x!tpu.dma_semaphore, #tpu.memory_space<semaphore_mem>>, %arg9: memref<2x!tpu.dma_semaphore, #tpu.memory_space<semaphore_mem>>) attributes {dimension_semantics = [#tpu.dimension_semantics<core_parallel>, #tpu.dimension_semantics<subcore_parallel>], iteration_bounds = array<i64: 2, 16>, scalar_prefetch = 0 : i64, scratch_operands = 5 : i64, tpu.core_type = #tpu.core_type<sc_vector_subcore>, window_params = [{transform_indices = #map}, {transform_indices = #map1}, {transform_indices = #map2}]} {
    %mul3A = arith.constant 2 : i32
    %mul3A_0 = arith.muli %arg1, %mul3A : i32
    %add3A = arith.addi %mul3A_0, %arg0 : i32
    %mul3A_1 = arith.constant 6400 : i32
    %mul3A_2 = arith.muli %add3A, %mul3A_1 : i32
    %broadcast_in_dim3A = arith.constant 0.000000e+00 : f32
    %broadcast_in_dim3A_3 = vector.broadcast %broadcast_in_dim3A : f32 to vector<16xf32>
    %swap3A = arith.constant 0 : i32
    %swap3A_4 = arith.index_cast %swap3A : i32 to index
    %swap3A_5 = arith.constant 0 : index
    %swap3A_6 = tpu.vector_load %arg7[%swap3A_4, %swap3A_5] {strides = array<i32>} : memref<3x32xf32, #tpu.memory_space<vmem>>, vector<16xf32>,
    tpu.vector_store %arg7[%swap3A_4, %swap3A_5], %broadcast_in_dim3A_3 {strides = array<i32>} : memref<3x32xf32, #tpu.memory_space<vmem>>, vector<16xf32>,
    %swap3A_7 = arith.constant 0 : i32
    %swap3A_8 = arith.index_cast %swap3A_7 : i32 to index
    %swap3A_9 = arith.constant 16 : index
    %swap3A_10 = tpu.vector_load %arg7[%swap3A_8, %swap3A_9] {strides = array<i32>} : memref<3x32xf32, #tpu.memory_space<vmem>>, vector<16xf32>,
    tpu.vector_store %arg7[%swap3A_8, %swap3A_9], %broadcast_in_dim3A_3 {strides = array<i32>} : memref<3x32xf32, #tpu.memory_space<vmem>>, vector<16xf32>,
    %swap3A_11 = arith.constant 1 : i32
    %swap3A_12 = arith.index_cast %swap3A_11 : i32 to index
    %swap3A_13 = arith.constant 0 : index
    %swap3A_14 = tpu.vector_load %arg7[%swap3A_12, %swap3A_13] {strides = array<i32>} : memref<3x32xf32, #tpu.memory_space<vmem>>, vector<16xf32>,
    tpu.vector_store %arg7[%swap3A_12, %swap3A_13], %broadcast_in_dim3A_3 {strides = array<i32>} : memref<3x32xf32, #tpu.memory_space<vmem>>, vector<16xf32>,
    %swap3A_15 = arith.constant 1 : i32
    %swap3A_16 = arith.index_cast %swap3A_15 : i32 to index
    %swap3A_17 = arith.constant 16 : index
    %swap3A_18 = tpu.vector_load %arg7[%swap3A_16, %swap3A_17] {strides = array<i32>} : memref<3x32xf32, #tpu.memory_space<vmem>>, vector<16xf32>,
    tpu.vector_store %arg7[%swap3A_16, %swap3A_17], %broadcast_in_dim3A_3 {strides = array<i32>} : memref<3x32xf32, #tpu.memory_space<vmem>>, vector<16xf32>,
    %swap3A_19 = arith.constant 2 : i32
    %swap3A_20 = arith.index_cast %swap3A_19 : i32 to index
    %swap3A_21 = arith.constant 0 : index
    %swap3A_22 = tpu.vector_load %arg7[%swap3A_20, %swap3A_21] {strides = array<i32>} : memref<3x32xf32, #tpu.memory_space<vmem>>, vector<16xf32>,
    tpu.vector_store %arg7[%swap3A_20, %swap3A_21], %broadcast_in_dim3A_3 {strides = array<i32>} : memref<3x32xf32, #tpu.memory_space<vmem>>, vector<16xf32>,
    %swap3A_23 = arith.constant 2 : i32
    %swap3A_24 = arith.index_cast %swap3A_23 : i32 to index
    %swap3A_25 = arith.constant 16 : index
    %swap3A_26 = tpu.vector_load %arg7[%swap3A_24, %swap3A_25] {strides = array<i32>} : memref<3x32xf32, #tpu.memory_space<vmem>>, vector<16xf32>,
    tpu.vector_store %arg7[%swap3A_24, %swap3A_25], %broadcast_in_dim3A_3 {strides = array<i32>} : memref<3x32xf32, #tpu.memory_space<vmem>>, vector<16xf32>,
    %add3A_27 = arith.constant 0 : i32
    %add3A_28 = arith.addi %mul3A_2, %add3A_27 : i32
    %dma_start3A = arith.constant 0 : i32
    %dma_start3A_29 = arith.constant 0 : i32
    %dma_start3A_30 = arith.constant 0 : i32
    %dma_start3A_31 = arith.constant 0 : i32
    %dma_start3A_32 = tpu.memref_slice %arg5[%dma_start3A, %dma_start3A_30, %dma_start3A_31] : memref<2x128x100xf32, #tpu.memory_space<vmem>> -> memref<1x128x100xf32, #tpu.memory_space<vmem>>
    %dma_start3A_33 = tpu.memref_squeeze %dma_start3A_32 : memref<1x128x100xf32, #tpu.memory_space<vmem>> -> memref<128x100xf32, #tpu.memory_space<vmem>>
    %dma_start3A_34 = arith.constant 0 : i32
    %dma_start3A_35 = tpu.memref_slice %arg2[%add3A_28, %dma_start3A_34] : memref<1000000x100xf32, #tpu.memory_space<hbm>> -> memref<128x100xf32, #tpu.memory_space<hbm>>
    %dma_start3A_36 = tpu.memref_slice %arg8[%dma_start3A_29] : memref<2x!tpu.dma_semaphore, #tpu.memory_space<semaphore_mem>> -> memref<1x!tpu.dma_semaphore, #tpu.memory_space<semaphore_mem>>
    %dma_start3A_37 = tpu.memref_squeeze %dma_start3A_36 : memref<1x!tpu.dma_semaphore, #tpu.memory_space<semaphore_mem>> -> memref<!tpu.dma_semaphore, #tpu.memory_space<semaphore_mem>>
    %dma_start3A_38 = arith.constant 0 : i32
    %dma_start3A_39 = arith.constant 0 : i32
    %dma_start3A_40 = tpu.memref_slice %arg5[%dma_start3A, %dma_start3A_38, %dma_start3A_39] : memref<2x128x100xf32, #tpu.memory_space<vmem>> -> memref<1x128x100xf32, #tpu.memory_space<vmem>>
    %dma_start3A_41 = tpu.memref_squeeze %dma_start3A_40 : memref<1x128x100xf32, #tpu.memory_space<vmem>> -> memref<128x100xf32, #tpu.memory_space<vmem>>
    %dma_start3A_42 = arith.constant 0 : i32
    %dma_start3A_43 = tpu.memref_slice %arg2[%add3A_28, %dma_start3A_42] : memref<1000000x100xf32, #tpu.memory_space<hbm>> -> memref<128x100xf32, #tpu.memory_space<hbm>>
    tpu.enqueue_dma source(%dma_start3A_43 : memref<128x100xf32, #tpu.memory_space<hbm>>) target(%dma_start3A_41 : memref<128x100xf32, #tpu.memory_space<vmem>>) target_semaphore(%dma_start3A_37 : memref<!tpu.dma_semaphore, #tpu.memory_space<semaphore_mem>>)
    %add3A_44 = arith.constant 0 : i32
    %add3A_45 = arith.addi %mul3A_2, %add3A_44 : i32
    %dma_start3A_46 = arith.constant 0 : i32
    %dma_start3A_47 = arith.constant 0 : i32
    %dma_start3A_48 = arith.constant 0 : i32
    %dma_start3A_49 = tpu.memref_slice %arg6[%dma_start3A_46, %dma_start3A_48] : memref<2x128xi32, #tpu.memory_space<vmem>> -> memref<1x128xi32, #tpu.memory_space<vmem>>
    %dma_start3A_50 = tpu.memref_squeeze %dma_start3A_49 : memref<1x128xi32, #tpu.memory_space<vmem>> -> memref<128xi32, #tpu.memory_space<vmem>>
    %dma_start3A_51 = tpu.memref_slice %arg3[%add3A_45] : memref<1000000xi32, #tpu.memory_space<hbm>> -> memref<128xi32, #tpu.memory_space<hbm>>
    %dma_start3A_52 = tpu.memref_slice %arg9[%dma_start3A_47] : memref<2x!tpu.dma_semaphore, #tpu.memory_space<semaphore_mem>> -> memref<1x!tpu.dma_semaphore, #tpu.memory_space<semaphore_mem>>
    %dma_start3A_53 = tpu.memref_squeeze %dma_start3A_52 : memref<1x!tpu.dma_semaphore, #tpu.memory_space<semaphore_mem>> -> memref<!tpu.dma_semaphore, #tpu.memory_space<semaphore_mem>>
    %dma_start3A_54 = arith.constant 0 : i32
    %dma_start3A_55 = tpu.memref_slice %arg6[%dma_start3A_46, %dma_start3A_54] : memref<2x128xi32, #tpu.memory_space<vmem>> -> memref<1x128xi32, #tpu.memory_space<vmem>>
    %dma_start3A_56 = tpu.memref_squeeze %dma_start3A_55 : memref<1x128xi32, #tpu.memory_space<vmem>> -> memref<128xi32, #tpu.memory_space<vmem>>
    %dma_start3A_57 = tpu.memref_slice %arg3[%add3A_45] : memref<1000000xi32, #tpu.memory_space<hbm>> -> memref<128xi32, #tpu.memory_space<hbm>>
    tpu.enqueue_dma source(%dma_start3A_57 : memref<128xi32, #tpu.memory_space<hbm>>) target(%dma_start3A_56 : memref<128xi32, #tpu.memory_space<vmem>>) target_semaphore(%dma_start3A_53 : memref<!tpu.dma_semaphore, #tpu.memory_space<semaphore_mem>>)
    %add3A_58 = arith.constant 128 : i32
    %add3A_59 = arith.addi %mul3A_2, %add3A_58 : i32
    %dma_start3A_60 = arith.constant 1 : i32
    %dma_start3A_61 = arith.constant 1 : i32
    %dma_start3A_62 = arith.constant 0 : i32
    %dma_start3A_63 = arith.constant 0 : i32
    %dma_start3A_64 = tpu.memref_slice %arg5[%dma_start3A_60, %dma_start3A_62, %dma_start3A_63] : memref<2x128x100xf32, #tpu.memory_space<vmem>> -> memref<1x128x100xf32, #tpu.memory_space<vmem>>
    %dma_start3A_65 = tpu.memref_squeeze %dma_start3A_64 : memref<1x128x100xf32, #tpu.memory_space<vmem>> -> memref<128x100xf32, #tpu.memory_space<vmem>>
    %dma_start3A_66 = arith.constant 0 : i32
    %dma_start3A_67 = tpu.memref_slice %arg2[%add3A_59, %dma_start3A_66] : memref<1000000x100xf32, #tpu.memory_space<hbm>> -> memref<128x100xf32, #tpu.memory_space<hbm>>
    %dma_start3A_68 = tpu.memref_slice %arg8[%dma_start3A_61] : memref<2x!tpu.dma_semaphore, #tpu.memory_space<semaphore_mem>> -> memref<1x!tpu.dma_semaphore, #tpu.memory_space<semaphore_mem>>
    %dma_start3A_69 = tpu.memref_squeeze %dma_start3A_68 : memref<1x!tpu.dma_semaphore, #tpu.memory_space<semaphore_mem>> -> memref<!tpu.dma_semaphore, #tpu.memory_space<semaphore_mem>>
    %dma_start3A_70 = arith.constant 0 : i32
    %dma_start3A_71 = arith.constant 0 : i32
    %dma_start3A_72 = tpu.memref_slice %arg5[%dma_start3A_60, %dma_start3A_70, %dma_start3A_71] : memref<2x128x100xf32, #tpu.memory_space<vmem>> -> memref<1x128x100xf32, #tpu.memory_space<vmem>>
    %dma_start3A_73 = tpu.memref_squeeze %dma_start3A_72 : memref<1x128x100xf32, #tpu.memory_space<vmem>> -> memref<128x100xf32, #tpu.memory_space<vmem>>
    %dma_start3A_74 = arith.constant 0 : i32
    %dma_start3A_75 = tpu.memref_slice %arg2[%add3A_59, %dma_start3A_74] : memref<1000000x100xf32, #tpu.memory_space<hbm>> -> memref<128x100xf32, #tpu.memory_space<hbm>>
    tpu.enqueue_dma source(%dma_start3A_75 : memref<128x100xf32, #tpu.memory_space<hbm>>) target(%dma_start3A_73 : memref<128x100xf32, #tpu.memory_space<vmem>>) target_semaphore(%dma_start3A_69 : memref<!tpu.dma_semaphore, #tpu.memory_space<semaphore_mem>>)
    %add3A_76 = arith.constant 128 : i32
    %add3A_77 = arith.addi %mul3A_2, %add3A_76 : i32
    %dma_start3A_78 = arith.constant 1 : i32
    %dma_start3A_79 = arith.constant 1 : i32
    %dma_start3A_80 = arith.constant 0 : i32
    %dma_start3A_81 = tpu.memref_slice %arg6[%dma_start3A_78, %dma_start3A_80] : memref<2x128xi32, #tpu.memory_space<vmem>> -> memref<1x128xi32, #tpu.memory_space<vmem>>
    %dma_start3A_82 = tpu.memref_squeeze %dma_start3A_81 : memref<1x128xi32, #tpu.memory_space<vmem>> -> memref<128xi32, #tpu.memory_space<vmem>>
    %dma_start3A_83 = tpu.memref_slice %arg3[%add3A_77] : memref<1000000xi32, #tpu.memory_space<hbm>> -> memref<128xi32, #tpu.memory_space<hbm>>
    %dma_start3A_84 = tpu.memref_slice %arg9[%dma_start3A_79] : memref<2x!tpu.dma_semaphore, #tpu.memory_space<semaphore_mem>> -> memref<1x!tpu.dma_semaphore, #tpu.memory_space<semaphore_mem>>
    %dma_start3A_85 = tpu.memref_squeeze %dma_start3A_84 : memref<1x!tpu.dma_semaphore, #tpu.memory_space<semaphore_mem>> -> memref<!tpu.dma_semaphore, #tpu.memory_space<semaphore_mem>>
    %dma_start3A_86 = arith.constant 0 : i32
    %dma_start3A_87 = tpu.memref_slice %arg6[%dma_start3A_78, %dma_start3A_86] : memref<2x128xi32, #tpu.memory_space<vmem>> -> memref<1x128xi32, #tpu.memory_space<vmem>>
    %dma_start3A_88 = tpu.memref_squeeze %dma_start3A_87 : memref<1x128xi32, #tpu.memory_space<vmem>> -> memref<128xi32, #tpu.memory_space<vmem>>
    %dma_start3A_89 = tpu.memref_slice %arg3[%add3A_77] : memref<1000000xi32, #tpu.memory_space<hbm>> -> memref<128xi32, #tpu.memory_space<hbm>>
    tpu.enqueue_dma source(%dma_start3A_89 : memref<128xi32, #tpu.memory_space<hbm>>) target(%dma_start3A_88 : memref<128xi32, #tpu.memory_space<vmem>>) target_semaphore(%dma_start3A_85 : memref<!tpu.dma_semaphore, #tpu.memory_space<semaphore_mem>>)
    %iota3A = tpu.iota {dimensions = array<i32: 0>} : vector<16xi32>
    %scan3A = arith.constant 0 : i32
    %scan3A_90 = arith.constant 0 : i32
    %scan3A_91 = arith.constant 25 : i32
    %scan3A_92 = arith.addi %scan3A_90, %scan3A_91 : i32
    %scan3A_93 = arith.constant 1 : i32
    scf.for %scan3A_95 = %scan3A_90 to %scan3A_92 step %scan3A_93  : i32 {
      %mul3A_96 = arith.constant 2 : i32
      %mul3A_97 = arith.muli %mul3A_96, %scan3A_95 : i32
      %add3A_98 = arith.constant 0 : i32
      %add3A_99 = arith.addi %mul3A_97, %add3A_98 : i32
      %mul3A_100 = arith.constant 128 : i32
      %mul3A_101 = arith.muli %add3A_99, %mul3A_100 : i32
      %add3A_102 = arith.addi %mul3A_2, %mul3A_101 : i32
      %dma_wait3A = arith.constant 0 : i32
      %dma_wait3A_103 = arith.constant 0 : i32
      %dma_wait3A_104 = arith.constant 0 : i32
      %dma_wait3A_105 = arith.constant 0 : i32
      %dma_wait3A_106 = tpu.memref_slice %arg5[%dma_wait3A, %dma_wait3A_104, %dma_wait3A_105] : memref<2x128x100xf32, #tpu.memory_space<vmem>> -> memref<1x128x100xf32, #tpu.memory_space<vmem>>
      %dma_wait3A_107 = tpu.memref_squeeze %dma_wait3A_106 : memref<1x128x100xf32, #tpu.memory_space<vmem>> -> memref<128x100xf32, #tpu.memory_space<vmem>>
      %dma_wait3A_108 = arith.constant 0 : i32
      %dma_wait3A_109 = tpu.memref_slice %arg2[%add3A_102, %dma_wait3A_108] : memref<1000000x100xf32, #tpu.memory_space<hbm>> -> memref<128x100xf32, #tpu.memory_space<hbm>>
      %dma_wait3A_110 = tpu.memref_slice %arg8[%dma_wait3A_103] : memref<2x!tpu.dma_semaphore, #tpu.memory_space<semaphore_mem>> -> memref<1x!tpu.dma_semaphore, #tpu.memory_space<semaphore_mem>>
      %dma_wait3A_111 = tpu.memref_squeeze %dma_wait3A_110 : memref<1x!tpu.dma_semaphore, #tpu.memory_space<semaphore_mem>> -> memref<!tpu.dma_semaphore, #tpu.memory_space<semaphore_mem>>
      %dma_wait3A_112 = arith.constant 0 : i32
      %dma_wait3A_113 = arith.constant 0 : i32
      %dma_wait3A_114 = tpu.memref_slice %arg5[%dma_wait3A, %dma_wait3A_112, %dma_wait3A_113] : memref<2x128x100xf32, #tpu.memory_space<vmem>> -> memref<1x128x100xf32, #tpu.memory_space<vmem>>
      %dma_wait3A_115 = tpu.memref_squeeze %dma_wait3A_114 : memref<1x128x100xf32, #tpu.memory_space<vmem>> -> memref<128x100xf32, #tpu.memory_space<vmem>>
      %dma_wait3A_116 = arith.constant 0 : i32
      %dma_wait3A_117 = tpu.memref_slice %arg2[%add3A_102, %dma_wait3A_116] : memref<1000000x100xf32, #tpu.memory_space<hbm>> -> memref<128x100xf32, #tpu.memory_space<hbm>>
      tpu.wait_dma2 semaphore(%dma_wait3A_111 : memref<!tpu.dma_semaphore, #tpu.memory_space<semaphore_mem>>) src(%dma_wait3A_117 : memref<128x100xf32, #tpu.memory_space<hbm>>) dst(%dma_wait3A_115 : memref<128x100xf32, #tpu.memory_space<vmem>>)
      %mul3A_118 = arith.constant 128 : i32
      %mul3A_119 = arith.muli %add3A_99, %mul3A_118 : i32
      %add3A_120 = arith.addi %mul3A_2, %mul3A_119 : i32
      %dma_wait3A_121 = arith.constant 0 : i32
      %dma_wait3A_122 = arith.constant 0 : i32
      %dma_wait3A_123 = arith.constant 0 : i32
      %dma_wait3A_124 = tpu.memref_slice %arg6[%dma_wait3A_121, %dma_wait3A_123] : memref<2x128xi32, #tpu.memory_space<vmem>> -> memref<1x128xi32, #tpu.memory_space<vmem>>
      %dma_wait3A_125 = tpu.memref_squeeze %dma_wait3A_124 : memref<1x128xi32, #tpu.memory_space<vmem>> -> memref<128xi32, #tpu.memory_space<vmem>>
      %dma_wait3A_126 = tpu.memref_slice %arg3[%add3A_120] : memref<1000000xi32, #tpu.memory_space<hbm>> -> memref<128xi32, #tpu.memory_space<hbm>>
      %dma_wait3A_127 = tpu.memref_slice %arg9[%dma_wait3A_122] : memref<2x!tpu.dma_semaphore, #tpu.memory_space<semaphore_mem>> -> memref<1x!tpu.dma_semaphore, #tpu.memory_space<semaphore_mem>>
      %dma_wait3A_128 = tpu.memref_squeeze %dma_wait3A_127 : memref<1x!tpu.dma_semaphore, #tpu.memory_space<semaphore_mem>> -> memref<!tpu.dma_semaphore, #tpu.memory_space<semaphore_mem>>
      %dma_wait3A_129 = arith.constant 0 : i32
      %dma_wait3A_130 = tpu.memref_slice %arg6[%dma_wait3A_121, %dma_wait3A_129] : memref<2x128xi32, #tpu.memory_space<vmem>> -> memref<1x128xi32, #tpu.memory_space<vmem>>
      %dma_wait3A_131 = tpu.memref_squeeze %dma_wait3A_130 : memref<1x128xi32, #tpu.memory_space<vmem>> -> memref<128xi32, #tpu.memory_space<vmem>>
      %dma_wait3A_132 = tpu.memref_slice %arg3[%add3A_120] : memref<1000000xi32, #tpu.memory_space<hbm>> -> memref<128xi32, #tpu.memory_space<hbm>>
      tpu.wait_dma2 semaphore(%dma_wait3A_128 : memref<!tpu.dma_semaphore, #tpu.memory_space<semaphore_mem>>) src(%dma_wait3A_132 : memref<128xi32, #tpu.memory_space<hbm>>) dst(%dma_wait3A_131 : memref<128xi32, #tpu.memory_space<vmem>>)
      %scan3A_133 = arith.constant 0 : i32
      %scan3A_134 = arith.constant 0 : i32
      %scan3A_135 = arith.constant 8 : i32
      %scan3A_136 = arith.addi %scan3A_134, %scan3A_135 : i32
      %scan3A_137 = arith.constant 1 : i32
      scf.for %scan3A_194 = %scan3A_134 to %scan3A_136 step %scan3A_137  : i32 {
        %mul3A_195 = arith.constant 16 : i32
        %mul3A_196 = arith.muli %scan3A_194, %mul3A_195 : i32
        %add3A_197 = vector.broadcast %mul3A_196 : i32 to vector<16xi32>
        %add3A_198 = arith.addi %add3A_197, %iota3A : vector<16xi32>
        %broadcast_in_dim3A_199 = arith.constant 0xFF800000 : f32
        %broadcast_in_dim3A_200 = vector.broadcast %broadcast_in_dim3A_199 : f32 to vector<16xf32>
        %broadcast_in_dim3A_201 = arith.constant 0 : i32
        %broadcast_in_dim3A_202 = vector.broadcast %broadcast_in_dim3A_201 : i32 to vector<16xi32>
        %scan3A_203 = arith.constant 0 : i32
        %scan3A_204 = arith.constant 100 : i32
        %scan3A_205 = arith.addi %scan3A_203, %scan3A_204 : i32
        %scan3A_206 = arith.constant 1 : i32
        %scan3A_207:2 = scf.for %scan3A_430 = %scan3A_203 to %scan3A_205 step %scan3A_206 iter_args(%scan3A_431 = %broadcast_in_dim3A_200, %scan3A_432 = %broadcast_in_dim3A_202) -> (vector<16xf32>, vector<16xi32>)  : i32 {
          %broadcast_in_dim3A_433 = vector.broadcast %scan3A_430 : i32 to vector<16xi32>
          %gather3A = arith.constant 0 : i32
          %gather3A_434 = arith.constant 0 : i32
          %gather3A_435 = arith.constant 0 : i32
          %gather3A_436 = tpu.memref_slice %arg5[%gather3A, %gather3A_434, %gather3A_435] : memref<2x128x100xf32, #tpu.memory_space<vmem>> -> memref<1x128x100xf32, #tpu.memory_space<vmem>>
          %gather3A_437 = tpu.memref_squeeze %gather3A_436 : memref<1x128x100xf32, #tpu.memory_space<vmem>> -> memref<128x100xf32, #tpu.memory_space<vmem>>
          %gather3A_438 = tpu.vector_load_idx %gather3A_437[%add3A_198, %broadcast_in_dim3A_433] : memref<128x100xf32, #tpu.memory_space<vmem>>[vector<16xi32>, vector<16xi32>], vector<16xf32>,
          %gt3A_439 = arith.cmpf ogt, %gather3A_438, %scan3A_431 : vector<16xf32>
          %select_n3A_440 = arith.select %gt3A_439, %gather3A_438, %scan3A_431 : vector<16xi1>, vector<16xf32>
          %broadcast_in_dim3A_441 = vector.broadcast %scan3A_430 : i32 to vector<16xi32>
          %select_n3A_442 = arith.select %gt3A_439, %broadcast_in_dim3A_441, %scan3A_432 : vector<16xi1>, vector<16xi32>
          scf.yield %select_n3A_440, %select_n3A_442 : vector<16xf32>, vector<16xi32>
        }
        %scan3A_208 = arith.constant 100 : i32
        %mul3A_209 = arith.constant 16 : i32
        %mul3A_210 = arith.muli %scan3A_194, %mul3A_209 : i32
        %get3A = arith.constant 0 : i32
        %get3A_211 = arith.index_cast %get3A : i32 to index
        %get3A_212 = arith.index_cast %mul3A_210 : i32 to index
        %get3A_213 = tpu.vector_load %arg6[%get3A_211, %get3A_212] {strides = array<i32>} : memref<2x128xi32, #tpu.memory_space<vmem>>, vector<16xi32>,
        %eq3A = arith.cmpi eq, %scan3A_207#1, %get3A_213 : vector<16xi32>
        %jit3A = arith.constant 1.000000e+00 : f32
        %jit3A_214 = arith.constant 0.000000e+00 : f32
        %broadcast_in_dim3A_215 = vector.broadcast %jit3A : f32 to vector<16xf32>
        %broadcast_in_dim3A_216 = vector.broadcast %jit3A_214 : f32 to vector<16xf32>
        %select_n3A = arith.select %eq3A, %broadcast_in_dim3A_215, %broadcast_in_dim3A_216 : vector<16xi1>, vector<16xf32>
        %broadcast_in_dim3A_217 = arith.constant 0 : i32
        %broadcast_in_dim3A_218 = vector.broadcast %broadcast_in_dim3A_217 : i32 to vector<16xi32>
        %gt3A = arith.constant 0.000000e+00 : f32
        %gt3A_219 = vector.broadcast %gt3A : f32 to vector<16xf32>
        %gt3A_220 = arith.cmpf ogt, %scan3A_207#0, %gt3A_219 : vector<16xf32>
        %jit3A_221 = arith.constant 1 : i32
        %jit3A_222 = arith.constant 0 : i32
        %broadcast_in_dim3A_223 = vector.broadcast %jit3A_221 : i32 to vector<16xi32>
        %broadcast_in_dim3A_224 = vector.broadcast %jit3A_222 : i32 to vector<16xi32>
        %select_n3A_225 = arith.select %gt3A_220, %broadcast_in_dim3A_223, %broadcast_in_dim3A_224 : vector<16xi1>, vector<16xi32>
        %add3A_226 = arith.addi %broadcast_in_dim3A_218, %select_n3A_225 : vector<16xi32>
        %gt3A_227 = arith.constant 5.000000e-02 : f32
        %gt3A_228 = vector.broadcast %gt3A_227 : f32 to vector<16xf32>
        %gt3A_229 = arith.cmpf ogt, %scan3A_207#0, %gt3A_228 : vector<16xf32>
        %jit3A_230 = arith.constant 1 : i32
        %jit3A_231 = arith.constant 0 : i32
        %broadcast_in_dim3A_232 = vector.broadcast %jit3A_230 : i32 to vector<16xi32>
        %broadcast_in_dim3A_233 = vector.broadcast %jit3A_231 : i32 to vector<16xi32>
        %select_n3A_234 = arith.select %gt3A_229, %broadcast_in_dim3A_232, %broadcast_in_dim3A_233 : vector<16xi1>, vector<16xi32>
        %add3A_235 = arith.addi %add3A_226, %select_n3A_234 : vector<16xi32>
        %gt3A_236 = arith.constant 1.000000e-01 : f32
        %gt3A_237 = vector.broadcast %gt3A_236 : f32 to vector<16xf32>
        %gt3A_238 = arith.cmpf ogt, %scan3A_207#0, %gt3A_237 : vector<16xf32>
        %jit3A_239 = arith.constant 1 : i32
        %jit3A_240 = arith.constant 0 : i32
        %broadcast_in_dim3A_241 = vector.broadcast %jit3A_239 : i32 to vector<16xi32>
        %broadcast_in_dim3A_242 = vector.broadcast %jit3A_240 : i32 to vector<16xi32>
        %select_n3A_243 = arith.select %gt3A_238, %broadcast_in_dim3A_241, %broadcast_in_dim3A_242 : vector<16xi1>, vector<16xi32>
        %add3A_244 = arith.addi %add3A_235, %select_n3A_243 : vector<16xi32>
        %gt3A_245 = arith.constant 1.500000e-01 : f32
        %gt3A_246 = vector.broadcast %gt3A_245 : f32 to vector<16xf32>
        %gt3A_247 = arith.cmpf ogt, %scan3A_207#0, %gt3A_246 : vector<16xf32>
        %jit3A_248 = arith.constant 1 : i32
        %jit3A_249 = arith.constant 0 : i32
        %broadcast_in_dim3A_250 = vector.broadcast %jit3A_248 : i32 to vector<16xi32>
        %broadcast_in_dim3A_251 = vector.broadcast %jit3A_249 : i32 to vector<16xi32>
        %select_n3A_252 = arith.select %gt3A_247, %broadcast_in_dim3A_250, %broadcast_in_dim3A_251 : vector<16xi1>, vector<16xi32>
        %add3A_253 = arith.addi %add3A_244, %select_n3A_252 : vector<16xi32>
        %gt3A_254 = arith.constant 2.000000e-01 : f32
        %gt3A_255 = vector.broadcast %gt3A_254 : f32 to vector<16xf32>
        %gt3A_256 = arith.cmpf ogt, %scan3A_207#0, %gt3A_255 : vector<16xf32>
        %jit3A_257 = arith.constant 1 : i32
        %jit3A_258 = arith.constant 0 : i32
        %broadcast_in_dim3A_259 = vector.broadcast %jit3A_257 : i32 to vector<16xi32>
        %broadcast_in_dim3A_260 = vector.broadcast %jit3A_258 : i32 to vector<16xi32>
        %select_n3A_261 = arith.select %gt3A_256, %broadcast_in_dim3A_259, %broadcast_in_dim3A_260 : vector<16xi1>, vector<16xi32>
        %add3A_262 = arith.addi %add3A_253, %select_n3A_261 : vector<16xi32>
        %gt3A_263 = arith.constant 2.500000e-01 : f32
        %gt3A_264 = vector.broadcast %gt3A_263 : f32 to vector<16xf32>
        %gt3A_265 = arith.cmpf ogt, %scan3A_207#0, %gt3A_264 : vector<16xf32>
        %jit3A_266 = arith.constant 1 : i32
        %jit3A_267 = arith.constant 0 : i32
        %broadcast_in_dim3A_268 = vector.broadcast %jit3A_266 : i32 to vector<16xi32>
        %broadcast_in_dim3A_269 = vector.broadcast %jit3A_267 : i32 to vector<16xi32>
        %select_n3A_270 = arith.select %gt3A_265, %broadcast_in_dim3A_268, %broadcast_in_dim3A_269 : vector<16xi1>, vector<16xi32>
        %add3A_271 = arith.addi %add3A_262, %select_n3A_270 : vector<16xi32>
        %gt3A_272 = arith.constant 3.000000e-01 : f32
        %gt3A_273 = vector.broadcast %gt3A_272 : f32 to vector<16xf32>
        %gt3A_274 = arith.cmpf ogt, %scan3A_207#0, %gt3A_273 : vector<16xf32>
        %jit3A_275 = arith.constant 1 : i32
        %jit3A_276 = arith.constant 0 : i32
        %broadcast_in_dim3A_277 = vector.broadcast %jit3A_275 : i32 to vector<16xi32>
        %broadcast_in_dim3A_278 = vector.broadcast %jit3A_276 : i32 to vector<16xi32>
        %select_n3A_279 = arith.select %gt3A_274, %broadcast_in_dim3A_277, %broadcast_in_dim3A_278 : vector<16xi1>, vector<16xi32>
        %add3A_280 = arith.addi %add3A_271, %select_n3A_279 : vector<16xi32>
        %gt3A_281 = arith.constant 3.500000e-01 : f32
        %gt3A_282 = vector.broadcast %gt3A_281 : f32 to vector<16xf32>
        %gt3A_283 = arith.cmpf ogt, %scan3A_207#0, %gt3A_282 : vector<16xf32>
        %jit3A_284 = arith.constant 1 : i32
        %jit3A_285 = arith.constant 0 : i32
        %broadcast_in_dim3A_286 = vector.broadcast %jit3A_284 : i32 to vector<16xi32>
        %broadcast_in_dim3A_287 = vector.broadcast %jit3A_285 : i32 to vector<16xi32>
        %select_n3A_288 = arith.select %gt3A_283, %broadcast_in_dim3A_286, %broadcast_in_dim3A_287 : vector<16xi1>, vector<16xi32>
        %add3A_289 = arith.addi %add3A_280, %select_n3A_288 : vector<16xi32>
        %gt3A_290 = arith.constant 4.000000e-01 : f32
        %gt3A_291 = vector.broadcast %gt3A_290 : f32 to vector<16xf32>
        %gt3A_292 = arith.cmpf ogt, %scan3A_207#0, %gt3A_291 : vector<16xf32>
        %jit3A_293 = arith.constant 1 : i32
        %jit3A_294 = arith.constant 0 : i32
        %broadcast_in_dim3A_295 = vector.broadcast %jit3A_293 : i32 to vector<16xi32>
        %broadcast_in_dim3A_296 = vector.broadcast %jit3A_294 : i32 to vector<16xi32>
        %select_n3A_297 = arith.select %gt3A_292, %broadcast_in_dim3A_295, %broadcast_in_dim3A_296 : vector<16xi1>, vector<16xi32>
        %add3A_298 = arith.addi %add3A_289, %select_n3A_297 : vector<16xi32>
        %gt3A_299 = arith.constant 4.500000e-01 : f32
        %gt3A_300 = vector.broadcast %gt3A_299 : f32 to vector<16xf32>
        %gt3A_301 = arith.cmpf ogt, %scan3A_207#0, %gt3A_300 : vector<16xf32>
        %jit3A_302 = arith.constant 1 : i32
        %jit3A_303 = arith.constant 0 : i32
        %broadcast_in_dim3A_304 = vector.broadcast %jit3A_302 : i32 to vector<16xi32>
        %broadcast_in_dim3A_305 = vector.broadcast %jit3A_303 : i32 to vector<16xi32>
        %select_n3A_306 = arith.select %gt3A_301, %broadcast_in_dim3A_304, %broadcast_in_dim3A_305 : vector<16xi1>, vector<16xi32>
        %add3A_307 = arith.addi %add3A_298, %select_n3A_306 : vector<16xi32>
        %gt3A_308 = arith.constant 5.000000e-01 : f32
        %gt3A_309 = vector.broadcast %gt3A_308 : f32 to vector<16xf32>
        %gt3A_310 = arith.cmpf ogt, %scan3A_207#0, %gt3A_309 : vector<16xf32>
        %jit3A_311 = arith.constant 1 : i32
        %jit3A_312 = arith.constant 0 : i32
        %broadcast_in_dim3A_313 = vector.broadcast %jit3A_311 : i32 to vector<16xi32>
        %broadcast_in_dim3A_314 = vector.broadcast %jit3A_312 : i32 to vector<16xi32>
        %select_n3A_315 = arith.select %gt3A_310, %broadcast_in_dim3A_313, %broadcast_in_dim3A_314 : vector<16xi1>, vector<16xi32>
        %add3A_316 = arith.addi %add3A_307, %select_n3A_315 : vector<16xi32>
        %gt3A_317 = arith.constant 5.500000e-01 : f32
        %gt3A_318 = vector.broadcast %gt3A_317 : f32 to vector<16xf32>
        %gt3A_319 = arith.cmpf ogt, %scan3A_207#0, %gt3A_318 : vector<16xf32>
        %jit3A_320 = arith.constant 1 : i32
        %jit3A_321 = arith.constant 0 : i32
        %broadcast_in_dim3A_322 = vector.broadcast %jit3A_320 : i32 to vector<16xi32>
        %broadcast_in_dim3A_323 = vector.broadcast %jit3A_321 : i32 to vector<16xi32>
        %select_n3A_324 = arith.select %gt3A_319, %broadcast_in_dim3A_322, %broadcast_in_dim3A_323 : vector<16xi1>, vector<16xi32>
        %add3A_325 = arith.addi %add3A_316, %select_n3A_324 : vector<16xi32>
        %gt3A_326 = arith.constant 6.000000e-01 : f32
        %gt3A_327 = vector.broadcast %gt3A_326 : f32 to vector<16xf32>
        %gt3A_328 = arith.cmpf ogt, %scan3A_207#0, %gt3A_327 : vector<16xf32>
        %jit3A_329 = arith.constant 1 : i32
        %jit3A_330 = arith.constant 0 : i32
        %broadcast_in_dim3A_331 = vector.broadcast %jit3A_329 : i32 to vector<16xi32>
        %broadcast_in_dim3A_332 = vector.broadcast %jit3A_330 : i32 to vector<16xi32>
        %select_n3A_333 = arith.select %gt3A_328, %broadcast_in_dim3A_331, %broadcast_in_dim3A_332 : vector<16xi1>, vector<16xi32>
        %add3A_334 = arith.addi %add3A_325, %select_n3A_333 : vector<16xi32>
        %gt3A_335 = arith.constant 6.500000e-01 : f32
        %gt3A_336 = vector.broadcast %gt3A_335 : f32 to vector<16xf32>
        %gt3A_337 = arith.cmpf ogt, %scan3A_207#0, %gt3A_336 : vector<16xf32>
        %jit3A_338 = arith.constant 1 : i32
        %jit3A_339 = arith.constant 0 : i32
        %broadcast_in_dim3A_340 = vector.broadcast %jit3A_338 : i32 to vector<16xi32>
        %broadcast_in_dim3A_341 = vector.broadcast %jit3A_339 : i32 to vector<16xi32>
        %select_n3A_342 = arith.select %gt3A_337, %broadcast_in_dim3A_340, %broadcast_in_dim3A_341 : vector<16xi1>, vector<16xi32>
        %add3A_343 = arith.addi %add3A_334, %select_n3A_342 : vector<16xi32>
        %gt3A_344 = arith.constant 0.699999988 : f32
        %gt3A_345 = vector.broadcast %gt3A_344 : f32 to vector<16xf32>
        %gt3A_346 = arith.cmpf ogt, %scan3A_207#0, %gt3A_345 : vector<16xf32>
        %jit3A_347 = arith.constant 1 : i32
        %jit3A_348 = arith.constant 0 : i32
        %broadcast_in_dim3A_349 = vector.broadcast %jit3A_347 : i32 to vector<16xi32>
        %broadcast_in_dim3A_350 = vector.broadcast %jit3A_348 : i32 to vector<16xi32>
        %select_n3A_351 = arith.select %gt3A_346, %broadcast_in_dim3A_349, %broadcast_in_dim3A_350 : vector<16xi1>, vector<16xi32>
        %add3A_352 = arith.addi %add3A_343, %select_n3A_351 : vector<16xi32>
        %gt3A_353 = arith.constant 7.500000e-01 : f32
        %gt3A_354 = vector.broadcast %gt3A_353 : f32 to vector<16xf32>
        %gt3A_355 = arith.cmpf ogt, %scan3A_207#0, %gt3A_354 : vector<16xf32>
        %jit3A_356 = arith.constant 1 : i32
        %jit3A_357 = arith.constant 0 : i32
        %broadcast_in_dim3A_358 = vector.broadcast %jit3A_356 : i32 to vector<16xi32>
        %broadcast_in_dim3A_359 = vector.broadcast %jit3A_357 : i32 to vector<16xi32>
        %select_n3A_360 = arith.select %gt3A_355, %broadcast_in_dim3A_358, %broadcast_in_dim3A_359 : vector<16xi1>, vector<16xi32>
        %add3A_361 = arith.addi %add3A_352, %select_n3A_360 : vector<16xi32>
        %gt3A_362 = arith.constant 8.000000e-01 : f32
        %gt3A_363 = vector.broadcast %gt3A_362 : f32 to vector<16xf32>
        %gt3A_364 = arith.cmpf ogt, %scan3A_207#0, %gt3A_363 : vector<16xf32>
        %jit3A_365 = arith.constant 1 : i32
        %jit3A_366 = arith.constant 0 : i32
        %broadcast_in_dim3A_367 = vector.broadcast %jit3A_365 : i32 to vector<16xi32>
        %broadcast_in_dim3A_368 = vector.broadcast %jit3A_366 : i32 to vector<16xi32>
        %select_n3A_369 = arith.select %gt3A_364, %broadcast_in_dim3A_367, %broadcast_in_dim3A_368 : vector<16xi1>, vector<16xi32>
        %add3A_370 = arith.addi %add3A_361, %select_n3A_369 : vector<16xi32>
        %gt3A_371 = arith.constant 8.500000e-01 : f32
        %gt3A_372 = vector.broadcast %gt3A_371 : f32 to vector<16xf32>
        %gt3A_373 = arith.cmpf ogt, %scan3A_207#0, %gt3A_372 : vector<16xf32>
        %jit3A_374 = arith.constant 1 : i32
        %jit3A_375 = arith.constant 0 : i32
        %broadcast_in_dim3A_376 = vector.broadcast %jit3A_374 : i32 to vector<16xi32>
        %broadcast_in_dim3A_377 = vector.broadcast %jit3A_375 : i32 to vector<16xi32>
        %select_n3A_378 = arith.select %gt3A_373, %broadcast_in_dim3A_376, %broadcast_in_dim3A_377 : vector<16xi1>, vector<16xi32>
        %add3A_379 = arith.addi %add3A_370, %select_n3A_378 : vector<16xi32>
        %gt3A_380 = arith.constant 0.899999976 : f32
        %gt3A_381 = vector.broadcast %gt3A_380 : f32 to vector<16xf32>
        %gt3A_382 = arith.cmpf ogt, %scan3A_207#0, %gt3A_381 : vector<16xf32>
        %jit3A_383 = arith.constant 1 : i32
        %jit3A_384 = arith.constant 0 : i32
        %broadcast_in_dim3A_385 = vector.broadcast %jit3A_383 : i32 to vector<16xi32>
        %broadcast_in_dim3A_386 = vector.broadcast %jit3A_384 : i32 to vector<16xi32>
        %select_n3A_387 = arith.select %gt3A_382, %broadcast_in_dim3A_385, %broadcast_in_dim3A_386 : vector<16xi1>, vector<16xi32>
        %add3A_388 = arith.addi %add3A_379, %select_n3A_387 : vector<16xi32>
        %gt3A_389 = arith.constant 0.949999988 : f32
        %gt3A_390 = vector.broadcast %gt3A_389 : f32 to vector<16xf32>
        %gt3A_391 = arith.cmpf ogt, %scan3A_207#0, %gt3A_390 : vector<16xf32>
        %jit3A_392 = arith.constant 1 : i32
        %jit3A_393 = arith.constant 0 : i32
        %broadcast_in_dim3A_394 = vector.broadcast %jit3A_392 : i32 to vector<16xi32>
        %broadcast_in_dim3A_395 = vector.broadcast %jit3A_393 : i32 to vector<16xi32>
        %select_n3A_396 = arith.select %gt3A_391, %broadcast_in_dim3A_394, %broadcast_in_dim3A_395 : vector<16xi1>, vector<16xi32>
        %add3A_397 = arith.addi %add3A_388, %select_n3A_396 : vector<16xi32>
        %gt3A_398 = arith.constant 1.000000e+00 : f32
        %gt3A_399 = vector.broadcast %gt3A_398 : f32 to vector<16xf32>
        %gt3A_400 = arith.cmpf ogt, %scan3A_207#0, %gt3A_399 : vector<16xf32>
        %jit3A_401 = arith.constant 1 : i32
        %jit3A_402 = arith.constant 0 : i32
        %broadcast_in_dim3A_403 = vector.broadcast %jit3A_401 : i32 to vector<16xi32>
        %broadcast_in_dim3A_404 = vector.broadcast %jit3A_402 : i32 to vector<16xi32>
        %select_n3A_405 = arith.select %gt3A_400, %broadcast_in_dim3A_403, %broadcast_in_dim3A_404 : vector<16xi1>, vector<16xi32>
        %add3A_406 = arith.addi %add3A_397, %select_n3A_405 : vector<16xi32>
        %gt3A_407 = arith.constant 0 : i32
        %gt3A_408 = vector.broadcast %gt3A_407 : i32 to vector<16xi32>
        %gt3A_409 = arith.cmpi sgt, %add3A_406, %gt3A_408 : vector<16xi32>
        %le3A = arith.constant 20 : i32
        %le3A_410 = vector.broadcast %le3A : i32 to vector<16xi32>
        %le3A_411 = arith.cmpi sle, %add3A_406, %le3A_410 : vector<16xi32>
        %and3A = arith.andi %gt3A_409, %le3A_411 : vector<16xi1>
        %sub3A = arith.constant 1 : i32
        %sub3A_412 = vector.broadcast %sub3A : i32 to vector<16xi32>
        %sub3A_413 = arith.subi %add3A_406, %sub3A_412 : vector<16xi32>
        %jit3A_414 = arith.constant 0 : i32
        %broadcast_in_dim3A_415 = vector.broadcast %jit3A_414 : i32 to vector<16xi32>
        %select_n3A_416 = arith.select %and3A, %sub3A_413, %broadcast_in_dim3A_415 : vector<16xi1>, vector<16xi32>
        %broadcast_in_dim3A_417 = arith.constant 1.000000e+00 : f32
        %broadcast_in_dim3A_418 = vector.broadcast %broadcast_in_dim3A_417 : f32 to vector<16xf32>
        %scatter3A = arith.constant 0 : i32
        %scatter3A_419 = arith.constant 0 : i32
        %scatter3A_420 = tpu.memref_slice %arg7[%scatter3A, %scatter3A_419] : memref<3x32xf32, #tpu.memory_space<vmem>> -> memref<1x32xf32, #tpu.memory_space<vmem>>
        %scatter3A_421 = tpu.memref_squeeze %scatter3A_420 : memref<1x32xf32, #tpu.memory_space<vmem>> -> memref<32xf32, #tpu.memory_space<vmem>>
        tpu.vector_store_idx %scatter3A_421[%select_n3A_416], %broadcast_in_dim3A_418 masked %and3A {add = true} : memref<32xf32, #tpu.memory_space<vmem>>[vector<16xi32>], vector<16xf32>, vector<16xi1>
        %scatter3A_422 = arith.constant 1 : i32
        %scatter3A_423 = arith.constant 0 : i32
        %scatter3A_424 = tpu.memref_slice %arg7[%scatter3A_422, %scatter3A_423] : memref<3x32xf32, #tpu.memory_space<vmem>> -> memref<1x32xf32, #tpu.memory_space<vmem>>
        %scatter3A_425 = tpu.memref_squeeze %scatter3A_424 : memref<1x32xf32, #tpu.memory_space<vmem>> -> memref<32xf32, #tpu.memory_space<vmem>>
        tpu.vector_store_idx %scatter3A_425[%select_n3A_416], %scan3A_207#0 masked %and3A {add = true} : memref<32xf32, #tpu.memory_space<vmem>>[vector<16xi32>], vector<16xf32>, vector<16xi1>
        %scatter3A_426 = arith.constant 2 : i32
        %scatter3A_427 = arith.constant 0 : i32
        %scatter3A_428 = tpu.memref_slice %arg7[%scatter3A_426, %scatter3A_427] : memref<3x32xf32, #tpu.memory_space<vmem>> -> memref<1x32xf32, #tpu.memory_space<vmem>>
        %scatter3A_429 = tpu.memref_squeeze %scatter3A_428 : memref<1x32xf32, #tpu.memory_space<vmem>> -> memref<32xf32, #tpu.memory_space<vmem>>
        tpu.vector_store_idx %scatter3A_429[%select_n3A_416], %select_n3A masked %and3A {add = true} : memref<32xf32, #tpu.memory_space<vmem>>[vector<16xi32>], vector<16xf32>, vector<16xi1>
      }
      %scan3A_138 = arith.constant 8 : i32
      %add3A_139 = arith.constant 2 : i32
      %add3A_140 = arith.addi %add3A_99, %add3A_139 : i32
      %lt3A = arith.constant 50 : i32
      %lt3A_141 = arith.cmpi slt, %add3A_140, %lt3A : i32
      %convert_element_type3A = arith.extui %lt3A_141 : i1 to i32
      %cond3A = arith.constant 0 : i32
      %cond3A_142 = arith.cmpi ne, %convert_element_type3A, %cond3A : i32
      scf.if %cond3A_142 {
        %add3A_194 = arith.constant 2 : i32
        %add3A_195 = arith.addi %add3A_99, %add3A_194 : i32
        %mul3A_196 = arith.constant 128 : i32
        %mul3A_197 = arith.muli %add3A_195, %mul3A_196 : i32
        %add3A_198 = arith.addi %mul3A_2, %mul3A_197 : i32
        %dma_start3A_199 = arith.constant 0 : i32
        %dma_start3A_200 = arith.constant 0 : i32
        %dma_start3A_201 = arith.constant 0 : i32
        %dma_start3A_202 = arith.constant 0 : i32
        %dma_start3A_203 = tpu.memref_slice %arg5[%dma_start3A_199, %dma_start3A_201, %dma_start3A_202] : memref<2x128x100xf32, #tpu.memory_space<vmem>> -> memref<1x128x100xf32, #tpu.memory_space<vmem>>
        %dma_start3A_204 = tpu.memref_squeeze %dma_start3A_203 : memref<1x128x100xf32, #tpu.memory_space<vmem>> -> memref<128x100xf32, #tpu.memory_space<vmem>>
        %dma_start3A_205 = arith.constant 0 : i32
        %dma_start3A_206 = tpu.memref_slice %arg2[%add3A_198, %dma_start3A_205] : memref<1000000x100xf32, #tpu.memory_space<hbm>> -> memref<128x100xf32, #tpu.memory_space<hbm>>
        %dma_start3A_207 = tpu.memref_slice %arg8[%dma_start3A_200] : memref<2x!tpu.dma_semaphore, #tpu.memory_space<semaphore_mem>> -> memref<1x!tpu.dma_semaphore, #tpu.memory_space<semaphore_mem>>
        %dma_start3A_208 = tpu.memref_squeeze %dma_start3A_207 : memref<1x!tpu.dma_semaphore, #tpu.memory_space<semaphore_mem>> -> memref<!tpu.dma_semaphore, #tpu.memory_space<semaphore_mem>>
        %dma_start3A_209 = arith.constant 0 : i32
        %dma_start3A_210 = arith.constant 0 : i32
        %dma_start3A_211 = tpu.memref_slice %arg5[%dma_start3A_199, %dma_start3A_209, %dma_start3A_210] : memref<2x128x100xf32, #tpu.memory_space<vmem>> -> memref<1x128x100xf32, #tpu.memory_space<vmem>>
        %dma_start3A_212 = tpu.memref_squeeze %dma_start3A_211 : memref<1x128x100xf32, #tpu.memory_space<vmem>> -> memref<128x100xf32, #tpu.memory_space<vmem>>
        %dma_start3A_213 = arith.constant 0 : i32
        %dma_start3A_214 = tpu.memref_slice %arg2[%add3A_198, %dma_start3A_213] : memref<1000000x100xf32, #tpu.memory_space<hbm>> -> memref<128x100xf32, #tpu.memory_space<hbm>>
        tpu.enqueue_dma source(%dma_start3A_214 : memref<128x100xf32, #tpu.memory_space<hbm>>) target(%dma_start3A_212 : memref<128x100xf32, #tpu.memory_space<vmem>>) target_semaphore(%dma_start3A_208 : memref<!tpu.dma_semaphore, #tpu.memory_space<semaphore_mem>>)
        %add3A_215 = arith.constant 2 : i32
        %add3A_216 = arith.addi %add3A_99, %add3A_215 : i32
        %mul3A_217 = arith.constant 128 : i32
        %mul3A_218 = arith.muli %add3A_216, %mul3A_217 : i32
        %add3A_219 = arith.addi %mul3A_2, %mul3A_218 : i32
        %dma_start3A_220 = arith.constant 0 : i32
        %dma_start3A_221 = arith.constant 0 : i32
        %dma_start3A_222 = arith.constant 0 : i32
        %dma_start3A_223 = tpu.memref_slice %arg6[%dma_start3A_220, %dma_start3A_222] : memref<2x128xi32, #tpu.memory_space<vmem>> -> memref<1x128xi32, #tpu.memory_space<vmem>>
        %dma_start3A_224 = tpu.memref_squeeze %dma_start3A_223 : memref<1x128xi32, #tpu.memory_space<vmem>> -> memref<128xi32, #tpu.memory_space<vmem>>
        %dma_start3A_225 = tpu.memref_slice %arg3[%add3A_219] : memref<1000000xi32, #tpu.memory_space<hbm>> -> memref<128xi32, #tpu.memory_space<hbm>>
        %dma_start3A_226 = tpu.memref_slice %arg9[%dma_start3A_221] : memref<2x!tpu.dma_semaphore, #tpu.memory_space<semaphore_mem>> -> memref<1x!tpu.dma_semaphore, #tpu.memory_space<semaphore_mem>>
        %dma_start3A_227 = tpu.memref_squeeze %dma_start3A_226 : memref<1x!tpu.dma_semaphore, #tpu.memory_space<semaphore_mem>> -> memref<!tpu.dma_semaphore, #tpu.memory_space<semaphore_mem>>
        %dma_start3A_228 = arith.constant 0 : i32
        %dma_start3A_229 = tpu.memref_slice %arg6[%dma_start3A_220, %dma_start3A_228] : memref<2x128xi32, #tpu.memory_space<vmem>> -> memref<1x128xi32, #tpu.memory_space<vmem>>
        %dma_start3A_230 = tpu.memref_squeeze %dma_start3A_229 : memref<1x128xi32, #tpu.memory_space<vmem>> -> memref<128xi32, #tpu.memory_space<vmem>>
        %dma_start3A_231 = tpu.memref_slice %arg3[%add3A_219] : memref<1000000xi32, #tpu.memory_space<hbm>> -> memref<128xi32, #tpu.memory_space<hbm>>
        tpu.enqueue_dma source(%dma_start3A_231 : memref<128xi32, #tpu.memory_space<hbm>>) target(%dma_start3A_230 : memref<128xi32, #tpu.memory_space<vmem>>) target_semaphore(%dma_start3A_227 : memref<!tpu.dma_semaphore, #tpu.memory_space<semaphore_mem>>)
      } else {
      }
      %mul3A_143 = arith.constant 2 : i32
      %mul3A_144 = arith.muli %mul3A_143, %scan3A_95 : i32
      %add3A_145 = arith.constant 1 : i32
      %add3A_146 = arith.addi %mul3A_144, %add3A_145 : i32
      %mul3A_147 = arith.constant 128 : i32
      %mul3A_148 = arith.muli %add3A_146, %mul3A_147 : i32
      %add3A_149 = arith.addi %mul3A_2, %mul3A_148 : i32
      %dma_wait3A_150 = arith.constant 1 : i32
      %dma_wait3A_151 = arith.constant 1 : i32
      %dma_wait3A_152 = arith.constant 0 : i32
      %dma_wait3A_153 = arith.constant 0 : i32
      %dma_wait3A_154 = tpu.memref_slice %arg5[%dma_wait3A_150, %dma_wait3A_152, %dma_wait3A_153] : memref<2x128x100xf32, #tpu.memory_space<vmem>> -> memref<1x128x100xf32, #tpu.memory_space<vmem>>
      %dma_wait3A_155 = tpu.memref_squeeze %dma_wait3A_154 : memref<1x128x100xf32, #tpu.memory_space<vmem>> -> memref<128x100xf32, #tpu.memory_space<vmem>>
      %dma_wait3A_156 = arith.constant 0 : i32
      %dma_wait3A_157 = tpu.memref_slice %arg2[%add3A_149, %dma_wait3A_156] : memref<1000000x100xf32, #tpu.memory_space<hbm>> -> memref<128x100xf32, #tpu.memory_space<hbm>>
      %dma_wait3A_158 = tpu.memref_slice %arg8[%dma_wait3A_151] : memref<2x!tpu.dma_semaphore, #tpu.memory_space<semaphore_mem>> -> memref<1x!tpu.dma_semaphore, #tpu.memory_space<semaphore_mem>>
      %dma_wait3A_159 = tpu.memref_squeeze %dma_wait3A_158 : memref<1x!tpu.dma_semaphore, #tpu.memory_space<semaphore_mem>> -> memref<!tpu.dma_semaphore, #tpu.memory_space<semaphore_mem>>
      %dma_wait3A_160 = arith.constant 0 : i32
      %dma_wait3A_161 = arith.constant 0 : i32
      %dma_wait3A_162 = tpu.memref_slice %arg5[%dma_wait3A_150, %dma_wait3A_160, %dma_wait3A_161] : memref<2x128x100xf32, #tpu.memory_space<vmem>> -> memref<1x128x100xf32, #tpu.memory_space<vmem>>
      %dma_wait3A_163 = tpu.memref_squeeze %dma_wait3A_162 : memref<1x128x100xf32, #tpu.memory_space<vmem>> -> memref<128x100xf32, #tpu.memory_space<vmem>>
      %dma_wait3A_164 = arith.constant 0 : i32
      %dma_wait3A_165 = tpu.memref_slice %arg2[%add3A_149, %dma_wait3A_164] : memref<1000000x100xf32, #tpu.memory_space<hbm>> -> memref<128x100xf32, #tpu.memory_space<hbm>>
      tpu.wait_dma2 semaphore(%dma_wait3A_159 : memref<!tpu.dma_semaphore, #tpu.memory_space<semaphore_mem>>) src(%dma_wait3A_165 : memref<128x100xf32, #tpu.memory_space<hbm>>) dst(%dma_wait3A_163 : memref<128x100xf32, #tpu.memory_space<vmem>>)
      %mul3A_166 = arith.constant 128 : i32
      %mul3A_167 = arith.muli %add3A_146, %mul3A_166 : i32
      %add3A_168 = arith.addi %mul3A_2, %mul3A_167 : i32
      %dma_wait3A_169 = arith.constant 1 : i32
      %dma_wait3A_170 = arith.constant 1 : i32
      %dma_wait3A_171 = arith.constant 0 : i32
      %dma_wait3A_172 = tpu.memref_slice %arg6[%dma_wait3A_169, %dma_wait3A_171] : memref<2x128xi32, #tpu.memory_space<vmem>> -> memref<1x128xi32, #tpu.memory_space<vmem>>
      %dma_wait3A_173 = tpu.memref_squeeze %dma_wait3A_172 : memref<1x128xi32, #tpu.memory_space<vmem>> -> memref<128xi32, #tpu.memory_space<vmem>>
      %dma_wait3A_174 = tpu.memref_slice %arg3[%add3A_168] : memref<1000000xi32, #tpu.memory_space<hbm>> -> memref<128xi32, #tpu.memory_space<hbm>>
      %dma_wait3A_175 = tpu.memref_slice %arg9[%dma_wait3A_170] : memref<2x!tpu.dma_semaphore, #tpu.memory_space<semaphore_mem>> -> memref<1x!tpu.dma_semaphore, #tpu.memory_space<semaphore_mem>>
      %dma_wait3A_176 = tpu.memref_squeeze %dma_wait3A_175 : memref<1x!tpu.dma_semaphore, #tpu.memory_space<semaphore_mem>> -> memref<!tpu.dma_semaphore, #tpu.memory_space<semaphore_mem>>
      %dma_wait3A_177 = arith.constant 0 : i32
      %dma_wait3A_178 = tpu.memref_slice %arg6[%dma_wait3A_169, %dma_wait3A_177] : memref<2x128xi32, #tpu.memory_space<vmem>> -> memref<1x128xi32, #tpu.memory_space<vmem>>
      %dma_wait3A_179 = tpu.memref_squeeze %dma_wait3A_178 : memref<1x128xi32, #tpu.memory_space<vmem>> -> memref<128xi32, #tpu.memory_space<vmem>>
      %dma_wait3A_180 = tpu.memref_slice %arg3[%add3A_168] : memref<1000000xi32, #tpu.memory_space<hbm>> -> memref<128xi32, #tpu.memory_space<hbm>>
      tpu.wait_dma2 semaphore(%dma_wait3A_176 : memref<!tpu.dma_semaphore, #tpu.memory_space<semaphore_mem>>) src(%dma_wait3A_180 : memref<128xi32, #tpu.memory_space<hbm>>) dst(%dma_wait3A_179 : memref<128xi32, #tpu.memory_space<vmem>>)
      %scan3A_181 = arith.constant 0 : i32
      %scan3A_182 = arith.constant 0 : i32
      %scan3A_183 = arith.constant 8 : i32
      %scan3A_184 = arith.addi %scan3A_182, %scan3A_183 : i32
      %scan3A_185 = arith.constant 1 : i32
      scf.for %scan3A_194 = %scan3A_182 to %scan3A_184 step %scan3A_185  : i32 {
        %mul3A_195 = arith.constant 16 : i32
        %mul3A_196 = arith.muli %scan3A_194, %mul3A_195 : i32
        %add3A_197 = vector.broadcast %mul3A_196 : i32 to vector<16xi32>
        %add3A_198 = arith.addi %add3A_197, %iota3A : vector<16xi32>
        %broadcast_in_dim3A_199 = arith.constant 0xFF800000 : f32
        %broadcast_in_dim3A_200 = vector.broadcast %broadcast_in_dim3A_199 : f32 to vector<16xf32>
        %broadcast_in_dim3A_201 = arith.constant 0 : i32
        %broadcast_in_dim3A_202 = vector.broadcast %broadcast_in_dim3A_201 : i32 to vector<16xi32>
        %scan3A_203 = arith.constant 0 : i32
        %scan3A_204 = arith.constant 100 : i32
        %scan3A_205 = arith.addi %scan3A_203, %scan3A_204 : i32
        %scan3A_206 = arith.constant 1 : i32
        %scan3A_207:2 = scf.for %scan3A_430 = %scan3A_203 to %scan3A_205 step %scan3A_206 iter_args(%scan3A_431 = %broadcast_in_dim3A_200, %scan3A_432 = %broadcast_in_dim3A_202) -> (vector<16xf32>, vector<16xi32>)  : i32 {
          %broadcast_in_dim3A_433 = vector.broadcast %scan3A_430 : i32 to vector<16xi32>
          %gather3A = arith.constant 1 : i32
          %gather3A_434 = arith.constant 0 : i32
          %gather3A_435 = arith.constant 0 : i32
          %gather3A_436 = tpu.memref_slice %arg5[%gather3A, %gather3A_434, %gather3A_435] : memref<2x128x100xf32, #tpu.memory_space<vmem>> -> memref<1x128x100xf32, #tpu.memory_space<vmem>>
          %gather3A_437 = tpu.memref_squeeze %gather3A_436 : memref<1x128x100xf32, #tpu.memory_space<vmem>> -> memref<128x100xf32, #tpu.memory_space<vmem>>
          %gather3A_438 = tpu.vector_load_idx %gather3A_437[%add3A_198, %broadcast_in_dim3A_433] : memref<128x100xf32, #tpu.memory_space<vmem>>[vector<16xi32>, vector<16xi32>], vector<16xf32>,
          %gt3A_439 = arith.cmpf ogt, %gather3A_438, %scan3A_431 : vector<16xf32>
          %select_n3A_440 = arith.select %gt3A_439, %gather3A_438, %scan3A_431 : vector<16xi1>, vector<16xf32>
          %broadcast_in_dim3A_441 = vector.broadcast %scan3A_430 : i32 to vector<16xi32>
          %select_n3A_442 = arith.select %gt3A_439, %broadcast_in_dim3A_441, %scan3A_432 : vector<16xi1>, vector<16xi32>
          scf.yield %select_n3A_440, %select_n3A_442 : vector<16xf32>, vector<16xi32>
        }
        %scan3A_208 = arith.constant 100 : i32
        %mul3A_209 = arith.constant 16 : i32
        %mul3A_210 = arith.muli %scan3A_194, %mul3A_209 : i32
        %get3A = arith.constant 1 : i32
        %get3A_211 = arith.index_cast %get3A : i32 to index
        %get3A_212 = arith.index_cast %mul3A_210 : i32 to index
        %get3A_213 = tpu.vector_load %arg6[%get3A_211, %get3A_212] {strides = array<i32>} : memref<2x128xi32, #tpu.memory_space<vmem>>, vector<16xi32>,
        %eq3A = arith.cmpi eq, %scan3A_207#1, %get3A_213 : vector<16xi32>
        %jit3A = arith.constant 1.000000e+00 : f32
        %jit3A_214 = arith.constant 0.000000e+00 : f32
        %broadcast_in_dim3A_215 = vector.broadcast %jit3A : f32 to vector<16xf32>
        %broadcast_in_dim3A_216 = vector.broadcast %jit3A_214 : f32 to vector<16xf32>
        %select_n3A = arith.select %eq3A, %broadcast_in_dim3A_215, %broadcast_in_dim3A_216 : vector<16xi1>, vector<16xf32>
        %broadcast_in_dim3A_217 = arith.constant 0 : i32
        %broadcast_in_dim3A_218 = vector.broadcast %broadcast_in_dim3A_217 : i32 to vector<16xi32>
        %gt3A = arith.constant 0.000000e+00 : f32
        %gt3A_219 = vector.broadcast %gt3A : f32 to vector<16xf32>
        %gt3A_220 = arith.cmpf ogt, %scan3A_207#0, %gt3A_219 : vector<16xf32>
        %jit3A_221 = arith.constant 1 : i32
        %jit3A_222 = arith.constant 0 : i32
        %broadcast_in_dim3A_223 = vector.broadcast %jit3A_221 : i32 to vector<16xi32>
        %broadcast_in_dim3A_224 = vector.broadcast %jit3A_222 : i32 to vector<16xi32>
        %select_n3A_225 = arith.select %gt3A_220, %broadcast_in_dim3A_223, %broadcast_in_dim3A_224 : vector<16xi1>, vector<16xi32>
        %add3A_226 = arith.addi %broadcast_in_dim3A_218, %select_n3A_225 : vector<16xi32>
        %gt3A_227 = arith.constant 5.000000e-02 : f32
        %gt3A_228 = vector.broadcast %gt3A_227 : f32 to vector<16xf32>
        %gt3A_229 = arith.cmpf ogt, %scan3A_207#0, %gt3A_228 : vector<16xf32>
        %jit3A_230 = arith.constant 1 : i32
        %jit3A_231 = arith.constant 0 : i32
        %broadcast_in_dim3A_232 = vector.broadcast %jit3A_230 : i32 to vector<16xi32>
        %broadcast_in_dim3A_233 = vector.broadcast %jit3A_231 : i32 to vector<16xi32>
        %select_n3A_234 = arith.select %gt3A_229, %broadcast_in_dim3A_232, %broadcast_in_dim3A_233 : vector<16xi1>, vector<16xi32>
        %add3A_235 = arith.addi %add3A_226, %select_n3A_234 : vector<16xi32>
        %gt3A_236 = arith.constant 1.000000e-01 : f32
        %gt3A_237 = vector.broadcast %gt3A_236 : f32 to vector<16xf32>
        %gt3A_238 = arith.cmpf ogt, %scan3A_207#0, %gt3A_237 : vector<16xf32>
        %jit3A_239 = arith.constant 1 : i32
        %jit3A_240 = arith.constant 0 : i32
        %broadcast_in_dim3A_241 = vector.broadcast %jit3A_239 : i32 to vector<16xi32>
        %broadcast_in_dim3A_242 = vector.broadcast %jit3A_240 : i32 to vector<16xi32>
        %select_n3A_243 = arith.select %gt3A_238, %broadcast_in_dim3A_241, %broadcast_in_dim3A_242 : vector<16xi1>, vector<16xi32>
        %add3A_244 = arith.addi %add3A_235, %select_n3A_243 : vector<16xi32>
        %gt3A_245 = arith.constant 1.500000e-01 : f32
        %gt3A_246 = vector.broadcast %gt3A_245 : f32 to vector<16xf32>
        %gt3A_247 = arith.cmpf ogt, %scan3A_207#0, %gt3A_246 : vector<16xf32>
        %jit3A_248 = arith.constant 1 : i32
        %jit3A_249 = arith.constant 0 : i32
        %broadcast_in_dim3A_250 = vector.broadcast %jit3A_248 : i32 to vector<16xi32>
        %broadcast_in_dim3A_251 = vector.broadcast %jit3A_249 : i32 to vector<16xi32>
        %select_n3A_252 = arith.select %gt3A_247, %broadcast_in_dim3A_250, %broadcast_in_dim3A_251 : vector<16xi1>, vector<16xi32>
        %add3A_253 = arith.addi %add3A_244, %select_n3A_252 : vector<16xi32>
        %gt3A_254 = arith.constant 2.000000e-01 : f32
        %gt3A_255 = vector.broadcast %gt3A_254 : f32 to vector<16xf32>
        %gt3A_256 = arith.cmpf ogt, %scan3A_207#0, %gt3A_255 : vector<16xf32>
        %jit3A_257 = arith.constant 1 : i32
        %jit3A_258 = arith.constant 0 : i32
        %broadcast_in_dim3A_259 = vector.broadcast %jit3A_257 : i32 to vector<16xi32>
        %broadcast_in_dim3A_260 = vector.broadcast %jit3A_258 : i32 to vector<16xi32>
        %select_n3A_261 = arith.select %gt3A_256, %broadcast_in_dim3A_259, %broadcast_in_dim3A_260 : vector<16xi1>, vector<16xi32>
        %add3A_262 = arith.addi %add3A_253, %select_n3A_261 : vector<16xi32>
        %gt3A_263 = arith.constant 2.500000e-01 : f32
        %gt3A_264 = vector.broadcast %gt3A_263 : f32 to vector<16xf32>
        %gt3A_265 = arith.cmpf ogt, %scan3A_207#0, %gt3A_264 : vector<16xf32>
        %jit3A_266 = arith.constant 1 : i32
        %jit3A_267 = arith.constant 0 : i32
        %broadcast_in_dim3A_268 = vector.broadcast %jit3A_266 : i32 to vector<16xi32>
        %broadcast_in_dim3A_269 = vector.broadcast %jit3A_267 : i32 to vector<16xi32>
        %select_n3A_270 = arith.select %gt3A_265, %broadcast_in_dim3A_268, %broadcast_in_dim3A_269 : vector<16xi1>, vector<16xi32>
        %add3A_271 = arith.addi %add3A_262, %select_n3A_270 : vector<16xi32>
        %gt3A_272 = arith.constant 3.000000e-01 : f32
        %gt3A_273 = vector.broadcast %gt3A_272 : f32 to vector<16xf32>
        %gt3A_274 = arith.cmpf ogt, %scan3A_207#0, %gt3A_273 : vector<16xf32>
        %jit3A_275 = arith.constant 1 : i32
        %jit3A_276 = arith.constant 0 : i32
        %broadcast_in_dim3A_277 = vector.broadcast %jit3A_275 : i32 to vector<16xi32>
        %broadcast_in_dim3A_278 = vector.broadcast %jit3A_276 : i32 to vector<16xi32>
        %select_n3A_279 = arith.select %gt3A_274, %broadcast_in_dim3A_277, %broadcast_in_dim3A_278 : vector<16xi1>, vector<16xi32>
        %add3A_280 = arith.addi %add3A_271, %select_n3A_279 : vector<16xi32>
        %gt3A_281 = arith.constant 3.500000e-01 : f32
        %gt3A_282 = vector.broadcast %gt3A_281 : f32 to vector<16xf32>
        %gt3A_283 = arith.cmpf ogt, %scan3A_207#0, %gt3A_282 : vector<16xf32>
        %jit3A_284 = arith.constant 1 : i32
        %jit3A_285 = arith.constant 0 : i32
        %broadcast_in_dim3A_286 = vector.broadcast %jit3A_284 : i32 to vector<16xi32>
        %broadcast_in_dim3A_287 = vector.broadcast %jit3A_285 : i32 to vector<16xi32>
        %select_n3A_288 = arith.select %gt3A_283, %broadcast_in_dim3A_286, %broadcast_in_dim3A_287 : vector<16xi1>, vector<16xi32>
        %add3A_289 = arith.addi %add3A_280, %select_n3A_288 : vector<16xi32>
        %gt3A_290 = arith.constant 4.000000e-01 : f32
        %gt3A_291 = vector.broadcast %gt3A_290 : f32 to vector<16xf32>
        %gt3A_292 = arith.cmpf ogt, %scan3A_207#0, %gt3A_291 : vector<16xf32>
        %jit3A_293 = arith.constant 1 : i32
        %jit3A_294 = arith.constant 0 : i32
        %broadcast_in_dim3A_295 = vector.broadcast %jit3A_293 : i32 to vector<16xi32>
        %broadcast_in_dim3A_296 = vector.broadcast %jit3A_294 : i32 to vector<16xi32>
        %select_n3A_297 = arith.select %gt3A_292, %broadcast_in_dim3A_295, %broadcast_in_dim3A_296 : vector<16xi1>, vector<16xi32>
        %add3A_298 = arith.addi %add3A_289, %select_n3A_297 : vector<16xi32>
        %gt3A_299 = arith.constant 4.500000e-01 : f32
        %gt3A_300 = vector.broadcast %gt3A_299 : f32 to vector<16xf32>
        %gt3A_301 = arith.cmpf ogt, %scan3A_207#0, %gt3A_300 : vector<16xf32>
        %jit3A_302 = arith.constant 1 : i32
        %jit3A_303 = arith.constant 0 : i32
        %broadcast_in_dim3A_304 = vector.broadcast %jit3A_302 : i32 to vector<16xi32>
        %broadcast_in_dim3A_305 = vector.broadcast %jit3A_303 : i32 to vector<16xi32>
        %select_n3A_306 = arith.select %gt3A_301, %broadcast_in_dim3A_304, %broadcast_in_dim3A_305 : vector<16xi1>, vector<16xi32>
        %add3A_307 = arith.addi %add3A_298, %select_n3A_306 : vector<16xi32>
        %gt3A_308 = arith.constant 5.000000e-01 : f32
        %gt3A_309 = vector.broadcast %gt3A_308 : f32 to vector<16xf32>
        %gt3A_310 = arith.cmpf ogt, %scan3A_207#0, %gt3A_309 : vector<16xf32>
        %jit3A_311 = arith.constant 1 : i32
        %jit3A_312 = arith.constant 0 : i32
        %broadcast_in_dim3A_313 = vector.broadcast %jit3A_311 : i32 to vector<16xi32>
        %broadcast_in_dim3A_314 = vector.broadcast %jit3A_312 : i32 to vector<16xi32>
        %select_n3A_315 = arith.select %gt3A_310, %broadcast_in_dim3A_313, %broadcast_in_dim3A_314 : vector<16xi1>, vector<16xi32>
        %add3A_316 = arith.addi %add3A_307, %select_n3A_315 : vector<16xi32>
        %gt3A_317 = arith.constant 5.500000e-01 : f32
        %gt3A_318 = vector.broadcast %gt3A_317 : f32 to vector<16xf32>
        %gt3A_319 = arith.cmpf ogt, %scan3A_207#0, %gt3A_318 : vector<16xf32>
        %jit3A_320 = arith.constant 1 : i32
        %jit3A_321 = arith.constant 0 : i32
        %broadcast_in_dim3A_322 = vector.broadcast %jit3A_320 : i32 to vector<16xi32>
        %broadcast_in_dim3A_323 = vector.broadcast %jit3A_321 : i32 to vector<16xi32>
        %select_n3A_324 = arith.select %gt3A_319, %broadcast_in_dim3A_322, %broadcast_in_dim3A_323 : vector<16xi1>, vector<16xi32>
        %add3A_325 = arith.addi %add3A_316, %select_n3A_324 : vector<16xi32>
        %gt3A_326 = arith.constant 6.000000e-01 : f32
        %gt3A_327 = vector.broadcast %gt3A_326 : f32 to vector<16xf32>
        %gt3A_328 = arith.cmpf ogt, %scan3A_207#0, %gt3A_327 : vector<16xf32>
        %jit3A_329 = arith.constant 1 : i32
        %jit3A_330 = arith.constant 0 : i32
        %broadcast_in_dim3A_331 = vector.broadcast %jit3A_329 : i32 to vector<16xi32>
        %broadcast_in_dim3A_332 = vector.broadcast %jit3A_330 : i32 to vector<16xi32>
        %select_n3A_333 = arith.select %gt3A_328, %broadcast_in_dim3A_331, %broadcast_in_dim3A_332 : vector<16xi1>, vector<16xi32>
        %add3A_334 = arith.addi %add3A_325, %select_n3A_333 : vector<16xi32>
        %gt3A_335 = arith.constant 6.500000e-01 : f32
        %gt3A_336 = vector.broadcast %gt3A_335 : f32 to vector<16xf32>
        %gt3A_337 = arith.cmpf ogt, %scan3A_207#0, %gt3A_336 : vector<16xf32>
        %jit3A_338 = arith.constant 1 : i32
        %jit3A_339 = arith.constant 0 : i32
        %broadcast_in_dim3A_340 = vector.broadcast %jit3A_338 : i32 to vector<16xi32>
        %broadcast_in_dim3A_341 = vector.broadcast %jit3A_339 : i32 to vector<16xi32>
        %select_n3A_342 = arith.select %gt3A_337, %broadcast_in_dim3A_340, %broadcast_in_dim3A_341 : vector<16xi1>, vector<16xi32>
        %add3A_343 = arith.addi %add3A_334, %select_n3A_342 : vector<16xi32>
        %gt3A_344 = arith.constant 0.699999988 : f32
        %gt3A_345 = vector.broadcast %gt3A_344 : f32 to vector<16xf32>
        %gt3A_346 = arith.cmpf ogt, %scan3A_207#0, %gt3A_345 : vector<16xf32>
        %jit3A_347 = arith.constant 1 : i32
        %jit3A_348 = arith.constant 0 : i32
        %broadcast_in_dim3A_349 = vector.broadcast %jit3A_347 : i32 to vector<16xi32>
        %broadcast_in_dim3A_350 = vector.broadcast %jit3A_348 : i32 to vector<16xi32>
        %select_n3A_351 = arith.select %gt3A_346, %broadcast_in_dim3A_349, %broadcast_in_dim3A_350 : vector<16xi1>, vector<16xi32>
        %add3A_352 = arith.addi %add3A_343, %select_n3A_351 : vector<16xi32>
        %gt3A_353 = arith.constant 7.500000e-01 : f32
        %gt3A_354 = vector.broadcast %gt3A_353 : f32 to vector<16xf32>
        %gt3A_355 = arith.cmpf ogt, %scan3A_207#0, %gt3A_354 : vector<16xf32>
        %jit3A_356 = arith.constant 1 : i32
        %jit3A_357 = arith.constant 0 : i32
        %broadcast_in_dim3A_358 = vector.broadcast %jit3A_356 : i32 to vector<16xi32>
        %broadcast_in_dim3A_359 = vector.broadcast %jit3A_357 : i32 to vector<16xi32>
        %select_n3A_360 = arith.select %gt3A_355, %broadcast_in_dim3A_358, %broadcast_in_dim3A_359 : vector<16xi1>, vector<16xi32>
        %add3A_361 = arith.addi %add3A_352, %select_n3A_360 : vector<16xi32>
        %gt3A_362 = arith.constant 8.000000e-01 : f32
        %gt3A_363 = vector.broadcast %gt3A_362 : f32 to vector<16xf32>
        %gt3A_364 = arith.cmpf ogt, %scan3A_207#0, %gt3A_363 : vector<16xf32>
        %jit3A_365 = arith.constant 1 : i32
        %jit3A_366 = arith.constant 0 : i32
        %broadcast_in_dim3A_367 = vector.broadcast %jit3A_365 : i32 to vector<16xi32>
        %broadcast_in_dim3A_368 = vector.broadcast %jit3A_366 : i32 to vector<16xi32>
        %select_n3A_369 = arith.select %gt3A_364, %broadcast_in_dim3A_367, %broadcast_in_dim3A_368 : vector<16xi1>, vector<16xi32>
        %add3A_370 = arith.addi %add3A_361, %select_n3A_369 : vector<16xi32>
        %gt3A_371 = arith.constant 8.500000e-01 : f32
        %gt3A_372 = vector.broadcast %gt3A_371 : f32 to vector<16xf32>
        %gt3A_373 = arith.cmpf ogt, %scan3A_207#0, %gt3A_372 : vector<16xf32>
        %jit3A_374 = arith.constant 1 : i32
        %jit3A_375 = arith.constant 0 : i32
        %broadcast_in_dim3A_376 = vector.broadcast %jit3A_374 : i32 to vector<16xi32>
        %broadcast_in_dim3A_377 = vector.broadcast %jit3A_375 : i32 to vector<16xi32>
        %select_n3A_378 = arith.select %gt3A_373, %broadcast_in_dim3A_376, %broadcast_in_dim3A_377 : vector<16xi1>, vector<16xi32>
        %add3A_379 = arith.addi %add3A_370, %select_n3A_378 : vector<16xi32>
        %gt3A_380 = arith.constant 0.899999976 : f32
        %gt3A_381 = vector.broadcast %gt3A_380 : f32 to vector<16xf32>
        %gt3A_382 = arith.cmpf ogt, %scan3A_207#0, %gt3A_381 : vector<16xf32>
        %jit3A_383 = arith.constant 1 : i32
        %jit3A_384 = arith.constant 0 : i32
        %broadcast_in_dim3A_385 = vector.broadcast %jit3A_383 : i32 to vector<16xi32>
        %broadcast_in_dim3A_386 = vector.broadcast %jit3A_384 : i32 to vector<16xi32>
        %select_n3A_387 = arith.select %gt3A_382, %broadcast_in_dim3A_385, %broadcast_in_dim3A_386 : vector<16xi1>, vector<16xi32>
        %add3A_388 = arith.addi %add3A_379, %select_n3A_387 : vector<16xi32>
        %gt3A_389 = arith.constant 0.949999988 : f32
        %gt3A_390 = vector.broadcast %gt3A_389 : f32 to vector<16xf32>
        %gt3A_391 = arith.cmpf ogt, %scan3A_207#0, %gt3A_390 : vector<16xf32>
        %jit3A_392 = arith.constant 1 : i32
        %jit3A_393 = arith.constant 0 : i32
        %broadcast_in_dim3A_394 = vector.broadcast %jit3A_392 : i32 to vector<16xi32>
        %broadcast_in_dim3A_395 = vector.broadcast %jit3A_393 : i32 to vector<16xi32>
        %select_n3A_396 = arith.select %gt3A_391, %broadcast_in_dim3A_394, %broadcast_in_dim3A_395 : vector<16xi1>, vector<16xi32>
        %add3A_397 = arith.addi %add3A_388, %select_n3A_396 : vector<16xi32>
        %gt3A_398 = arith.constant 1.000000e+00 : f32
        %gt3A_399 = vector.broadcast %gt3A_398 : f32 to vector<16xf32>
        %gt3A_400 = arith.cmpf ogt, %scan3A_207#0, %gt3A_399 : vector<16xf32>
        %jit3A_401 = arith.constant 1 : i32
        %jit3A_402 = arith.constant 0 : i32
        %broadcast_in_dim3A_403 = vector.broadcast %jit3A_401 : i32 to vector<16xi32>
        %broadcast_in_dim3A_404 = vector.broadcast %jit3A_402 : i32 to vector<16xi32>
        %select_n3A_405 = arith.select %gt3A_400, %broadcast_in_dim3A_403, %broadcast_in_dim3A_404 : vector<16xi1>, vector<16xi32>
        %add3A_406 = arith.addi %add3A_397, %select_n3A_405 : vector<16xi32>
        %gt3A_407 = arith.constant 0 : i32
        %gt3A_408 = vector.broadcast %gt3A_407 : i32 to vector<16xi32>
        %gt3A_409 = arith.cmpi sgt, %add3A_406, %gt3A_408 : vector<16xi32>
        %le3A = arith.constant 20 : i32
        %le3A_410 = vector.broadcast %le3A : i32 to vector<16xi32>
        %le3A_411 = arith.cmpi sle, %add3A_406, %le3A_410 : vector<16xi32>
        %and3A = arith.andi %gt3A_409, %le3A_411 : vector<16xi1>
        %sub3A = arith.constant 1 : i32
        %sub3A_412 = vector.broadcast %sub3A : i32 to vector<16xi32>
        %sub3A_413 = arith.subi %add3A_406, %sub3A_412 : vector<16xi32>
        %jit3A_414 = arith.constant 0 : i32
        %broadcast_in_dim3A_415 = vector.broadcast %jit3A_414 : i32 to vector<16xi32>
        %select_n3A_416 = arith.select %and3A, %sub3A_413, %broadcast_in_dim3A_415 : vector<16xi1>, vector<16xi32>
        %broadcast_in_dim3A_417 = arith.constant 1.000000e+00 : f32
        %broadcast_in_dim3A_418 = vector.broadcast %broadcast_in_dim3A_417 : f32 to vector<16xf32>
        %scatter3A = arith.constant 0 : i32
        %scatter3A_419 = arith.constant 0 : i32
        %scatter3A_420 = tpu.memref_slice %arg7[%scatter3A, %scatter3A_419] : memref<3x32xf32, #tpu.memory_space<vmem>> -> memref<1x32xf32, #tpu.memory_space<vmem>>
        %scatter3A_421 = tpu.memref_squeeze %scatter3A_420 : memref<1x32xf32, #tpu.memory_space<vmem>> -> memref<32xf32, #tpu.memory_space<vmem>>
        tpu.vector_store_idx %scatter3A_421[%select_n3A_416], %broadcast_in_dim3A_418 masked %and3A {add = true} : memref<32xf32, #tpu.memory_space<vmem>>[vector<16xi32>], vector<16xf32>, vector<16xi1>
        %scatter3A_422 = arith.constant 1 : i32
        %scatter3A_423 = arith.constant 0 : i32
        %scatter3A_424 = tpu.memref_slice %arg7[%scatter3A_422, %scatter3A_423] : memref<3x32xf32, #tpu.memory_space<vmem>> -> memref<1x32xf32, #tpu.memory_space<vmem>>
        %scatter3A_425 = tpu.memref_squeeze %scatter3A_424 : memref<1x32xf32, #tpu.memory_space<vmem>> -> memref<32xf32, #tpu.memory_space<vmem>>
        tpu.vector_store_idx %scatter3A_425[%select_n3A_416], %scan3A_207#0 masked %and3A {add = true} : memref<32xf32, #tpu.memory_space<vmem>>[vector<16xi32>], vector<16xf32>, vector<16xi1>
        %scatter3A_426 = arith.constant 2 : i32
        %scatter3A_427 = arith.constant 0 : i32
        %scatter3A_428 = tpu.memref_slice %arg7[%scatter3A_426, %scatter3A_427] : memref<3x32xf32, #tpu.memory_space<vmem>> -> memref<1x32xf32, #tpu.memory_space<vmem>>
        %scatter3A_429 = tpu.memref_squeeze %scatter3A_428 : memref<1x32xf32, #tpu.memory_space<vmem>> -> memref<32xf32, #tpu.memory_space<vmem>>
        tpu.vector_store_idx %scatter3A_429[%select_n3A_416], %select_n3A masked %and3A {add = true} : memref<32xf32, #tpu.memory_space<vmem>>[vector<16xi32>], vector<16xf32>, vector<16xi1>
      }
      %scan3A_186 = arith.constant 8 : i32
      %add3A_187 = arith.constant 2 : i32
      %add3A_188 = arith.addi %add3A_146, %add3A_187 : i32
      %lt3A_189 = arith.constant 50 : i32
      %lt3A_190 = arith.cmpi slt, %add3A_188, %lt3A_189 : i32
      %convert_element_type3A_191 = arith.extui %lt3A_190 : i1 to i32
      %cond3A_192 = arith.constant 0 : i32
      %cond3A_193 = arith.cmpi ne, %convert_element_type3A_191, %cond3A_192 : i32
      scf.if %cond3A_193 {
        %add3A_194 = arith.constant 2 : i32
        %add3A_195 = arith.addi %add3A_146, %add3A_194 : i32
        %mul3A_196 = arith.constant 128 : i32
        %mul3A_197 = arith.muli %add3A_195, %mul3A_196 : i32
        %add3A_198 = arith.addi %mul3A_2, %mul3A_197 : i32
        %dma_start3A_199 = arith.constant 1 : i32
        %dma_start3A_200 = arith.constant 1 : i32
        %dma_start3A_201 = arith.constant 0 : i32
        %dma_start3A_202 = arith.constant 0 : i32
        %dma_start3A_203 = tpu.memref_slice %arg5[%dma_start3A_199, %dma_start3A_201, %dma_start3A_202] : memref<2x128x100xf32, #tpu.memory_space<vmem>> -> memref<1x128x100xf32, #tpu.memory_space<vmem>>
        %dma_start3A_204 = tpu.memref_squeeze %dma_start3A_203 : memref<1x128x100xf32, #tpu.memory_space<vmem>> -> memref<128x100xf32, #tpu.memory_space<vmem>>
        %dma_start3A_205 = arith.constant 0 : i32
        %dma_start3A_206 = tpu.memref_slice %arg2[%add3A_198, %dma_start3A_205] : memref<1000000x100xf32, #tpu.memory_space<hbm>> -> memref<128x100xf32, #tpu.memory_space<hbm>>
        %dma_start3A_207 = tpu.memref_slice %arg8[%dma_start3A_200] : memref<2x!tpu.dma_semaphore, #tpu.memory_space<semaphore_mem>> -> memref<1x!tpu.dma_semaphore, #tpu.memory_space<semaphore_mem>>
        %dma_start3A_208 = tpu.memref_squeeze %dma_start3A_207 : memref<1x!tpu.dma_semaphore, #tpu.memory_space<semaphore_mem>> -> memref<!tpu.dma_semaphore, #tpu.memory_space<semaphore_mem>>
        %dma_start3A_209 = arith.constant 0 : i32
        %dma_start3A_210 = arith.constant 0 : i32
        %dma_start3A_211 = tpu.memref_slice %arg5[%dma_start3A_199, %dma_start3A_209, %dma_start3A_210] : memref<2x128x100xf32, #tpu.memory_space<vmem>> -> memref<1x128x100xf32, #tpu.memory_space<vmem>>
        %dma_start3A_212 = tpu.memref_squeeze %dma_start3A_211 : memref<1x128x100xf32, #tpu.memory_space<vmem>> -> memref<128x100xf32, #tpu.memory_space<vmem>>
        %dma_start3A_213 = arith.constant 0 : i32
        %dma_start3A_214 = tpu.memref_slice %arg2[%add3A_198, %dma_start3A_213] : memref<1000000x100xf32, #tpu.memory_space<hbm>> -> memref<128x100xf32, #tpu.memory_space<hbm>>
        tpu.enqueue_dma source(%dma_start3A_214 : memref<128x100xf32, #tpu.memory_space<hbm>>) target(%dma_start3A_212 : memref<128x100xf32, #tpu.memory_space<vmem>>) target_semaphore(%dma_start3A_208 : memref<!tpu.dma_semaphore, #tpu.memory_space<semaphore_mem>>)
        %add3A_215 = arith.constant 2 : i32
        %add3A_216 = arith.addi %add3A_146, %add3A_215 : i32
        %mul3A_217 = arith.constant 128 : i32
        %mul3A_218 = arith.muli %add3A_216, %mul3A_217 : i32
        %add3A_219 = arith.addi %mul3A_2, %mul3A_218 : i32
        %dma_start3A_220 = arith.constant 1 : i32
        %dma_start3A_221 = arith.constant 1 : i32
        %dma_start3A_222 = arith.constant 0 : i32
        %dma_start3A_223 = tpu.memref_slice %arg6[%dma_start3A_220, %dma_start3A_222] : memref<2x128xi32, #tpu.memory_space<vmem>> -> memref<1x128xi32, #tpu.memory_space<vmem>>
        %dma_start3A_224 = tpu.memref_squeeze %dma_start3A_223 : memref<1x128xi32, #tpu.memory_space<vmem>> -> memref<128xi32, #tpu.memory_space<vmem>>
        %dma_start3A_225 = tpu.memref_slice %arg3[%add3A_219] : memref<1000000xi32, #tpu.memory_space<hbm>> -> memref<128xi32, #tpu.memory_space<hbm>>
        %dma_start3A_226 = tpu.memref_slice %arg9[%dma_start3A_221] : memref<2x!tpu.dma_semaphore, #tpu.memory_space<semaphore_mem>> -> memref<1x!tpu.dma_semaphore, #tpu.memory_space<semaphore_mem>>
        %dma_start3A_227 = tpu.memref_squeeze %dma_start3A_226 : memref<1x!tpu.dma_semaphore, #tpu.memory_space<semaphore_mem>> -> memref<!tpu.dma_semaphore, #tpu.memory_space<semaphore_mem>>
        %dma_start3A_228 = arith.constant 0 : i32
        %dma_start3A_229 = tpu.memref_slice %arg6[%dma_start3A_220, %dma_start3A_228] : memref<2x128xi32, #tpu.memory_space<vmem>> -> memref<1x128xi32, #tpu.memory_space<vmem>>
        %dma_start3A_230 = tpu.memref_squeeze %dma_start3A_229 : memref<1x128xi32, #tpu.memory_space<vmem>> -> memref<128xi32, #tpu.memory_space<vmem>>
        %dma_start3A_231 = tpu.memref_slice %arg3[%add3A_219] : memref<1000000xi32, #tpu.memory_space<hbm>> -> memref<128xi32, #tpu.memory_space<hbm>>
        tpu.enqueue_dma source(%dma_start3A_231 : memref<128xi32, #tpu.memory_space<hbm>>) target(%dma_start3A_230 : memref<128xi32, #tpu.memory_space<vmem>>) target_semaphore(%dma_start3A_227 : memref<!tpu.dma_semaphore, #tpu.memory_space<semaphore_mem>>)
      } else {
      }
    }
    %scan3A_94 = arith.constant 25 : i32
    "tpu.region"() ({
      %run_scoped3A = tpu.sem_alloc : memref<!tpu.dma_semaphore, #tpu.memory_space<semaphore_mem>>
      %dma_start3A_95 = arith.constant 0 : i32
      %dma_start3A_96 = arith.constant 0 : i32
      %dma_start3A_97 = tpu.memref_slice %arg4[%add3A, %dma_start3A_95, %dma_start3A_96] : memref<32x3x32xf32, #tpu.memory_space<hbm>> -> memref<1x3x32xf32, #tpu.memory_space<hbm>>
      %dma_start3A_98 = tpu.memref_squeeze %dma_start3A_97 : memref<1x3x32xf32, #tpu.memory_space<hbm>> -> memref<3x32xf32, #tpu.memory_space<hbm>>
      %dma_start3A_99 = arith.constant 0 : i32
      %dma_start3A_100 = arith.constant 0 : i32
      %dma_start3A_101 = tpu.memref_slice %arg4[%add3A, %dma_start3A_99, %dma_start3A_100] : memref<32x3x32xf32, #tpu.memory_space<hbm>> -> memref<1x3x32xf32, #tpu.memory_space<hbm>>
      %dma_start3A_102 = tpu.memref_squeeze %dma_start3A_101 : memref<1x3x32xf32, #tpu.memory_space<hbm>> -> memref<3x32xf32, #tpu.memory_space<hbm>>
      tpu.enqueue_dma source(%arg7 : memref<3x32xf32, #tpu.memory_space<vmem>>) target(%dma_start3A_102 : memref<3x32xf32, #tpu.memory_space<hbm>>) target_semaphore(%run_scoped3A : memref<!tpu.dma_semaphore, #tpu.memory_space<semaphore_mem>>)
      %dma_wait3A = arith.constant 0 : i32
      %dma_wait3A_103 = arith.constant 0 : i32
      %dma_wait3A_104 = tpu.memref_slice %arg4[%add3A, %dma_wait3A, %dma_wait3A_103] : memref<32x3x32xf32, #tpu.memory_space<hbm>> -> memref<1x3x32xf32, #tpu.memory_space<hbm>>
      %dma_wait3A_105 = tpu.memref_squeeze %dma_wait3A_104 : memref<1x3x32xf32, #tpu.memory_space<hbm>> -> memref<3x32xf32, #tpu.memory_space<hbm>>
      %dma_wait3A_106 = arith.constant 0 : i32
      %dma_wait3A_107 = arith.constant 0 : i32
      %dma_wait3A_108 = tpu.memref_slice %arg4[%add3A, %dma_wait3A_106, %dma_wait3A_107] : memref<32x3x32xf32, #tpu.memory_space<hbm>> -> memref<1x3x32xf32, #tpu.memory_space<hbm>>
      %dma_wait3A_109 = tpu.memref_squeeze %dma_wait3A_108 : memref<1x3x32xf32, #tpu.memory_space<hbm>> -> memref<3x32xf32, #tpu.memory_space<hbm>>
      tpu.wait_dma2 semaphore(%run_scoped3A : memref<!tpu.dma_semaphore, #tpu.memory_space<semaphore_mem>>) src(%arg7 : memref<3x32xf32, #tpu.memory_space<vmem>>) dst(%dma_wait3A_109 : memref<3x32xf32, #tpu.memory_space<hbm>>)
      tpu.yield
    }) : () -> ()
    return
  }
}

</mosaic_0001>

<sc_bundles>
// kernel: _sc_partial.3.cloned.1.call-start
scs
__scs_entry_jumppad:
0x0: {  	(pc) =	sbr.rel $0x88, $3  }
0x1: {  	(tag) =	ssettag $0x0;
	lr =	simm.s32 $0x1  }
0x2: {  	[smem:$0x3F9F] =	sst lr;
	_ =	strace $0xD0000000  }
0x3: {  	_ = 	snop  }
0x4: {  	_ = 	snop  }
0x5: {  	_ = 	snop  }
0x6: {  	_ = 	snop  }
0x7: {  	_ = 	snop  }
__scs_overlays_trampoline_lowered:
0x8: {  	[smem:$0x3FAE] =	sst s0  }
0x9: {  	[smem:$0x3FAF] =	sst s1  }
0xa: {  	[smem:$0x3FB0] =	sst s2  }
0xb: {  	[smem:$0x3FB1] =	sst s3  }
0xc: {  	[smem:$0x3FB2] =	sst s4  }
0xd: {  	[smem:$0x3FB3] =	sst s5  }
0xe: {  	[smem:$0x3FB4] =	sst s6  }
0xf: {  	[smem:$0x3FB5] =	sst s7  }
0x10: {  	[smem:$0x3FB6] =	sst s8  }
0x11: {  	[smem:$0x3FB7] =	sst s9;
	s0 =	simm.s32 @!p0 $0x0  }
0x12: {  	s1 =	sld [smem:$0x3F9D];
	s0 =	simm.s32 @p0 $0x1  }
0x13: {  	[smem:$0x3FB8] =	sst s0;
	s0 =	simm.s32 @!p1 $0x0  }
0x14: {  	s2 =	sld [smem:$0x3F9C];
	s0 =	simm.s32 @p1 $0x1  }
0x15: {  	[smem:$0x3FB9] =	sst s0;
	s0 =	simm.s32 @!p2 $0x0  }
0x16: {  	s3 =	sld [smem:$0x3FDB];
	s0 =	simm.s32 @p2 $0x1  }
0x17: {  	s4 =	simm.s32 $0x1BF5;
	[smem:$0x3FBB] =	sst s0  }
0x18: {  	s0 =	sld [smem:$0x3F9E];
	_ =	swait.ge [sflag:s4], $0x0  }
0x19: {  	s7 =	sld [smem:$0x3F9F]  }
0x1a: {  	s8 =	sadd.s32 $0xFFFFE003, lr  }
0x1b: {  	s9 =	sadd.s32 $0xFFFFFEF7, lr;
	s5 =	simm.s32 $0xFFFFFFFF;
	p2 =	slt.u32 s8, $0xFFFFF086  }
0x1c: {  	p1 =	slt.u32 s9, $0xF7A;
	s5 =	simm.s32 @!p2 $0x0  }
0x1d: {  	s5 =	simm.s32 @p1 $0x1;
	p0 =	seq.s32 s7, s2  }
0x1e: {  	s7 =	smul.u32 @!p0 $0xF7A, s2;
	p2 =	seq.s32 @!p0 s5, $0x0  }
0x1f: {  	s9 =	smul.u32 $0xF7A, s1;
	s8 =	simm.s32 @!p0 $0x1BF5;
	p2 =	por !p2, p0  }
0x20: {  	[sflag:s8] =	ssyncset.s32 @!p0 $0xFFFFF086;
	s6 =	sadd.s32 @!p0 s3, s7;
	s7 =	simm.s32 @!p0 $0x108  }
0x21: {  	s3 =	sadd.s32 s3, s9;
	s6 =	sadd.s32 @!p0 $0x88, s6;
	s7 =	simm.s32 @p2 $0x1082  }
0x22: {  	[simem:s7], [sflag:s8] =	dma.local @!p0 [hbm:s6], $0xF7A  }
0x23: {  	s9 =	sor.u32 $0xD0000000, s2;
	s6 =	simm.s32 $0x108;
	_ =	swait.ge @!p0 [sflag:s8], $0x0  }
0x24: {  	s3 =	sadd.s32 $0x88, s3;
	s6 =	simm.s32 @!p1 $0x1082;
	[sflag:s4] =	ssyncset.s32 $0xFFFFF086  }
0x25: {  	[simem:s6], [sflag:s4] =	dma.local [hbm:s3], $0xF7A  }
0x26: {  	[smem:$0x3F9F] =	sst s1;
	(tag) =	ssettag s2;
	_ =	strace s9  }
0x27: {  	s1 =	sld [smem:$0x3FAF]  }
0x28: {  	s2 =	sld [smem:$0x3FB0]  }
0x29: {  	s4 =	sld [smem:$0x3FB2]  }
0x2a: {  	p0 =	seq.s32 s5, $0x0;
	s5 =	sld [smem:$0x3FB3]  }
0x2b: {  	s6 =	sld [smem:$0x3FB4]  }
0x2c: {  	s7 =	sld [smem:$0x3FB5]  }
0x2d: {  	s3 =	simm.s32 $0x108;
	s8 =	sld [smem:$0x3FB6]  }
0x2e: {  	s3 =	simm.s32 @!p0 $0x1082;
	s9 =	sld [smem:$0x3FB7]  }
0x2f: {  	lr =	sadd.s32 s0, s3;
	s0 =	sld [smem:$0x3FAE]  }
0x30: {  	s3 =	sld [smem:$0x3FB1]  }
0x31: {  	[smem:$0x3FBA] =	sst s10  }
0x32: {  	s10 =	sld [smem:$0x3FB8];
	_ =	sdelay $0x3  }
0x33: {  	p0 =	seq.s32 s10, $0x1;
	s10 =	sld [smem:$0x3FBA];
	_ =	sdelay $0x3  }
0x34: {  	[smem:$0x3FBA] =	sst s10  }
0x35: {  	s10 =	sld [smem:$0x3FB9];
	_ =	sdelay $0x3  }
0x36: {  	p1 =	seq.s32 s10, $0x1;
	s10 =	sld [smem:$0x3FBA];
	_ =	sdelay $0x3  }
0x37: {  	[smem:$0x3FBA] =	sst s10  }
0x38: {  	s10 =	sld [smem:$0x3FBB]  }
0x39: {  	_ = 	snop;
	(pc) =	sbr.ind lr, $3  }
0x3a: {  	_ = 	snop  }
0x3b: {  	_ = 	snop  }
0x3c: {  	p2 =	seq.s32 s10, $0x1;
	s10 =	sld [smem:$0x3FBA]  }
0x3d: {  	_ =	shalt  }
0x3e: {  	_ =	shalt  }
0x3f: {  	_ =	shalt  }
0x40: {  	_ =	shalt  }
0x41: {  	_ =	shalt  }
0x42: {  	_ =	shalt  }
0x43: {  	_ =	shalt  }
0x44: {  	_ =	shalt  }
0x45: {  	_ =	shalt  }
0x46: {  	_ =	shalt  }
0x47: {  	_ =	shalt  }
0x48: {  	_ =	shalt  }
0x49: {  	_ =	shalt  }
0x4a: {  	_ =	shalt  }
0x4b: {  	_ =	shalt  }
0x4c: {  	_ =	shalt  }
0x4d: {  	_ =	shalt  }
0x4e: {  	_ =	shalt  }
0x4f: {  	_ =	shalt  }
0x50: {  	_ =	shalt  }
0x51: {  	_ =	shalt  }
0x52: {  	_ =	shalt  }
0x53: {  	_ =	shalt  }
0x54: {  	_ =	shalt  }
0x55: {  	_ =	shalt  }
0x56: {  	_ =	shalt  }
0x57: {  	_ =	shalt  }
0x58: {  	_ =	shalt  }
0x59: {  	_ =	shalt  }
0x5a: {  	_ =	shalt  }
0x5b: {  	_ =	shalt  }
0x5c: {  	_ =	shalt  }
0x5d: {  	_ =	shalt  }
0x5e: {  	_ =	shalt  }
0x5f: {  	_ =	shalt  }
0x60: {  	_ =	shalt  }
0x61: {  	_ =	shalt  }
0x62: {  	_ =	shalt  }
0x63: {  	_ =	shalt  }
0x64: {  	_ =	shalt  }
0x65: {  	_ =	shalt  }
0x66: {  	_ =	shalt  }
0x67: {  	_ =	shalt  }
0x68: {  	_ =	shalt  }
0x69: {  	_ =	shalt  }
0x6a: {  	_ =	shalt  }
0x6b: {  	_ =	shalt  }
0x6c: {  	_ =	shalt  }
0x6d: {  	_ =	shalt  }
0x6e: {  	_ =	shalt  }
0x6f: {  	_ =	shalt  }
0x70: {  	_ =	shalt  }
0x71: {  	_ =	shalt  }
0x72: {  	_ =	shalt  }
0x73: {  	_ =	shalt  }
0x74: {  	_ =	shalt  }
0x75: {  	_ =	shalt  }
0x76: {  	_ =	shalt  }
0x77: {  	_ =	shalt  }
0x78: {  	_ =	shalt  }
0x79: {  	_ =	shalt  }
0x7a: {  	_ =	shalt  }
0x7b: {  	_ =	shalt  }
0x7c: {  	_ =	shalt  }
0x7d: {  	_ =	shalt  }
0x7e: {  	_ =	shalt  }
0x7f: {  	_ =	shalt  }
0x80: {  	_ =	shalt  }
0x81: {  	_ =	shalt  }
0x82: {  	_ =	shalt  }
0x83: {  	_ =	shalt  }
0x84: {  	_ =	shalt  }
0x85: {  	_ =	shalt  }
0x86: {  	_ =	shalt  }
0x87: {  	_ =	shalt  }
.Lfunc_end0:
.L_simem_size_0:
called_computation_lowered:
.L_overlay_start_0:
0x88: {  	s2 =	sld [smem:$0x3FD9]  }
0x89: {  	s3 =	sld [smem:$0x3FFE];
	_ =	sdelay $0x1  }
0x8a: {  	s1 =	srdreg.scid  }
0x8b: {  	s0 =	sand.u32 $0x1, s1  }
0x8c: {  	s17 =	sshll.u32 s0, $0xA;
	s2 =	sadd.s32 s3, s2  }
0x8d: {  	s2 =	sadd.s32 s2, s17  }
0x8e: {  	[smem:$0x3FC6] =	sst s2  }
0x8f: {  	_ = 	snop  }
0x90: {  	s2 =	sld [smem:$0x3FC8];
	(tm) =	ssettm $0x1  }
0x91: {  	s18 =	sld [smem:$0x3FFB];
	_ =	sdelay $0x3  }
0x92: {  	_ =	strace s18  }
0x93: {  	s3 =	sld [smem:$0x3FFC];
	_ =	sdelay $0x3  }
0x94: {  	_ =	strace s3  }
0x95: {  	s3 =	sld [smem:$0x3FFD];
	_ =	sdelay $0x3  }
0x96: {  	_ =	strace s3  }
0x97: {  	_ =	strace $0x8FFFFFFF  }
0x98: {  	s19 =	sld [smem:$0x3FDB];
	_ =	sdelay $0x1  }
0x99: {  	s4 =	simm.s32 $_scs_section_size  }
0x9a: {  	s5 =	simm.s32 $_size__tile_overlayer_lowered;
	s6 =	simm.s32 $_tile_overlayer_lowered  }
0x9b: {  	s22 =	simm.s32 $0x1BFF;
	s21 =	sshll.u32 s6, $0x1;
	s3 =	sadd.s32 s4, s19  }
0x9c: {  	s7 =	simm.s32 $0x0;
	s20 =	sshll.u32 s5, $0x1;
	s5 =	sadd.s32 s21, s3  }
0x9d: {  	[timem:s7], [sflag:s22] =	dma.local [hbm:s5], s20  }
0x9e: {  	_ =	swait.ge [sflag:s22], s20  }
0x9f: {  	s4 =	ssub.s32 $0x0, s20;
	[sflag:s22] =	ssyncset.done $0x0  }
0xa0: {  	[sflag:s22] =	ssyncadd.s32 s4;
	_ =	sdelay $0x1  }
0xa1: {  	s23 =	simm.s32 $0x1B8B  }
0xa2: {  	_ =	swait.ge [sflag:s23], $0x1  }
0xa3: {  	[sflag:s23] =	ssyncset.done $0x0  }
0xa4: {  	s25 =	simm.s32 $0x1B8E;
	s24 =	sld [smem:$0x3FFE];
	[sflag:s23] =	ssyncadd.s32 $0xFFFFFFFF  }
0xa5: {  	s26 =	simm.s32 $execute0_lowered;
	[smem:$0x3FD2] =	sst s25  }
0xa6: {  	s5 =	sshll.u32 s26, $0x1;
	_ =	strace $0x80000046;
	[dreg:$0x1] =	wrdreg $0xFFFFFFFF  }
0xa7: {  	s28 =	simm.s32 $_size_execute0_lowered;
	s3 =	sadd.s32 s3, s5;
	[dreg:$0x0] =	wrdreg $0x0  }
0xa8: {  	s5 =	sshll.u32 s28, $0x1;
	[dreg:$0x2] =	wrdreg s3  }
0xa9: {  	[dreg:$0x3] =	wrdreg s5  }
0xaa: {  	[dreg:$0x4] =	wrdreg $0xC0  }
0xab: {  	_ =	task [dreg:s7], $0x5FFFF  }
0xac: {  	[dreg:$0x1] =	wrdreg $0xFFFFFFFF  }
0xad: {  	[dreg:$0x0] =	wrdreg $0x60  }
0xae: {  	[dreg:$0x2] =	wrdreg s24  }
0xaf: {  	[dreg:$0x3] =	wrdreg s2  }
0xb0: {  	[dreg:$0x4] =	wrdreg $0x9  }
0xb1: {  	_ =	task.clear_ibuf [dreg:s7], $0x5FFFF;
	_ =	strace $0x90000046  }
0xb2: {  	s29 =	simm.s32 $0x9;
	_ =	strace $0x80000048  }
0xb3: {  	_ =	swait.ge [sflag:s29], $0x1  }
0xb4: {  	[sflag:s29] =	ssyncadd.s32 $0xFFFFFFFF  }
0xb5: {  	_ =	strace $0x90000048  }
0xb6: {  	_ =	sfence  }
0xb7: {  	s30 =	sld [smem:$0x0];
	_ =	sdelay $0x2  }
0xb8: {  	s31 =	sshll.u32 s1, $0xD;
	s1 =	sshrl.u32 s1, $0x2  }
0xb9: {  	s3 =	sand.u32 $0x4000, s31;
	s1 =	sadd.s32 s1, s30  }
0xba: {  	s0 =	sor.u32 s3, s0;
	s1 =	sshll.u32 s1, $0x11  }
0xbb: {  	s0 =	sor.u32 s1, s0  }
0xbc: {  	s0 =	sadd.s32 $0x8F2B, s0  }
0xbd: {  	[sflag:s0] =	ssyncadd.remote.s32 $0x1  }
0xbe: {  	_ =	sfence.sel $0xFFFF  }
0xbf: {  	[dreg:$0x0] =	wrdreg $0xFFFFFFFF;
	(pc) =	sbr.abs _section_cstart, $3  }
0xc0: {  	[dreg:$0x1] =	wrdreg $0xFFFFFFFF  }
0xc1: {  	_ =	task.clear_ibuf [dreg:s7], $0x2FFFF;
	_ =	strace $0x9FFFFFFF  }
0xc2: {  	(tm) =	ssettm $0x7FFFFFFF  }
0xc3: {  	_ =	shalt  }
tec
execute0_lowered:
.L_overlay_start_1:
0x0: {  	(tag) =	ssettag $0x1  }
0x1: {  	s0 =	rddreg [dreg:$0x0]  }
0x2: {  	s2 =	rddreg [dreg:$0x1]  }
0x3: {  	s4 =	srdreg.scid;
	s1 =	stileid.u32  }
0x4: {  	s3 =	simm.s32 $0x0;
	s13 =	simm.s32 $0x8000;
	s14 =	simm.s32 $0x4000  }
0x5: {  	s15 =	simm.s32 $0x8080;
	s16 =	simm.s32 $0x1;
	s17 =	simm.s32 $0x3  }
0x6: {  	s18 =	simm.s32 $0x8100;
	s19 =	simm.s32 $0x8180;
	s20 =	simm.s32 $0x8200  }
0x7: {  	s21 =	simm.s32 $0x2;
	s22 =	simm.s32 $0x4;
	s23 =	simm.s32 $0x5  }
0x8: {  	s4 =	sand.u32 $0x1, s4;
	s5 =	sshll.u32 s1, $0x1;
	[smem:$0x7FF] =	sst s3  }
0x9: {  	s24 =	simm.s32 $0x0;
	s5 =	sor.u32 s4, s5;
	_ =	strace $0x80000047  }
0xa: {  	s6 =	ssub.s32 $0x2, s4;
	s4 =	sadd.s32 $0x400, s0;
	s10 =	smul.u32 $0x1900, s5  }
0xb: {  	s7 =	sshll.u32 s5, $0x6;
	s8 =	sshrl.u32 s6, $0x1;
	s5 =	smul.u32 $0x19000, s5  }
.Ltmp0:
0xc: {  	s0 =	sadd.s32 s7, s0;
	s12 =	ssub.s32 s6, s8;
	(pc) =	sbr.rel .LBB2_1-.Ltmp0, $4  }
0xd: {  	s5 =	sadd.s32 s4, s5;
	s29 =	sshrl.u32 s10, $0x3;
	s30 =	sor.u32 $0x80, s10  }
0xe: {  	s11 =	sadd.s32 $0xF42800, s0;
	s12 =	smax.u32 s12, $0x1;
	s31 =	sshll.u32 s30, $0x4  }
0xf: {  	v0 =	vimm.f32 $0.0e+00;
	v1 =	vlaneseq.u32;
	s6 =	sadd.s32 s2, s29;
	s9 =	sshrl.u32 s30, $0x3;
	s7 =	sadd.s32 s4, s31  }
0x10: {  	v2 =	vimm.f32 $1.000000000e+00;
	v3 =	vimm.s32 $0x0;
	v1 =	vmul.u32 $0x80, v1;
	s8 =	sadd.s32 s2, s9;
	s9 =	sadd.s32 $0x100, s10;
	s10 =	sadd.s32 $0x180, s10  }
.LBB2_12:
0x11: {  	s24 =	sadd.s32 $0x1, s24  }
0x12: {  	p0 =	sne.s32 s24, s12  }
.Ltmp1:
0x13: {  	_ = 	snop;
	(pc) =	sbr.rel @!p0 .LBB2_13-.Ltmp1, $4  }
0x14: {  	[hbm4b:s11+s3] =	stream.linear.scatter [tilespmem:s18], [sflag:$0x5], $0x180, $0x38;
	[tilespmem:$0x8300] =	vst v63  }
0x15: {  	_ =	swait.ge [sflag:s23], $0x180  }
0x16: {  	[sflag:s23] =	ssyncset.done $0x0  }
0x17: {  	[sflag:s23] =	ssyncadd.s32 $0xFFFFFE80  }
.LBB2_1:
0x18: {  	[tilespmem:$0x8100] =	vst v0  }
0x19: {  	[tilespmem:$0x8110] =	vst v0  }
0x1a: {  	[tilespmem:$0x8180] =	vst v0  }
0x1b: {  	[tilespmem:$0x8190] =	vst v0  }
0x1c: {  	[tilespmem:$0x8200] =	vst v0  }
0x1d: {  	[tilespmem:$0x8210] =	vst v0  }
0x1e: {  	[tilespmem:s3], [sflag:$0x1] =	stream.linear.gather [hbm4b:s5+s3], $0x4000, $0x38;
	[tilespmem:$0x8300] =	vst v63  }
0x1f: {  	_ = 	snop  }
0x20: {  	[tilespmem:s13], [sflag:$0x3] =	stream.linear.gather [hbm4b:s6+s3], $0x80, $0x38;
	[tilespmem:$0x8300] =	vst v63  }
0x21: {  	_ = 	snop  }
0x22: {  	[tilespmem:s14], [sflag:$0x2] =	stream.linear.gather [hbm4b:s7+s3], $0x4000, $0x38;
	[tilespmem:$0x8300] =	vst v63  }
0x23: {  	s25 =	simm.s32 $0x0  }
0x24: {  	[tilespmem:s15], [sflag:$0x4] =	stream.linear.gather [hbm4b:s8+s3], $0x80, $0x38;
	[tilespmem:$0x8300] =	vst v63  }
.LBB2_2:
0x25: {  	_ =	swait.ge [sflag:s16], $0x4000  }
0x26: {  	[sflag:s16] =	ssyncset.done $0x0  }
0x27: {  	[sflag:s16] =	ssyncadd.s32 $0xFFFFC000  }
0x28: {  	_ =	swait.ge [sflag:s17], $0x80  }
0x29: {  	[sflag:s17] =	ssyncset.done $0x0  }
0x2a: {  	s26 =	simm.s32 $0x0;
	s28 =	simm.s32 $0x0;
	[sflag:s17] =	ssyncadd.s32 $0xFFFFFF80  }
.LBB2_3:
0x2b: {  	s29 =	sshll.u32 s28, $0x4  }
0x2c: {  	v4 =	vmov s29  }
0x2d: {  	v4 =	vshll.u32 v4, $0x7  }
0x2e: {  	v7 =	vor.u32 v1, v4;
	_ =	sdelay $0x3  }
0x2f: {  	v6 =	vor.u32 $0x1, v7  }
0x30: {  	v5 =	vimm.f32 $-Inf;
	s31 =	simm.s32 $0x1;
	s30 =	simm.s32 $0x0;
	v4 =	vimm.s32 $0x0;
	v8 =	vadd.s32 s26, v6;
	v7 =	vld.idx.msk [tilespmem:v7+s3+$0x0], $0xffff  }
.LBB2_4:
0x31: {  	p0 =	sne.s32 s31, $0x63  }
.Ltmp2:
0x32: {  	_ = 	snop;
	(pc) =	sbr.rel @p0 .LBB2_4-.Ltmp2, $3  }
0x33: {  	_ =	sdelay $0x1  }
0x34: {  	s0 =	smov.u32 s31;
	s31 =	sadd.s32 $0x1, s31;
	vm0 =	vgt.f32 v7, v5;
	v9 =	vmov v7;
	v7 =	vld.idx.msk [tilespmem:v8+s3+$0x0], $0xffff  }
0x35: {  	v8 =	vadd.s32 s0, v6;
	v5 =	vsel vm0, v9, v5;
	v4 =	vsel vm0, s30, v4;
	s30 =	smov.u32 s0  }
0x36: {  	_ =	sdelay $0x2  }
0x37: {  	vm0 =	vgt.f32 v7, v5  }
0x38: {  	v5 =	vsel vm0, v7, v5  }
0x39: {  	vm1 =	vgt.f32 v5, $5.000000070e-02  }
0x3a: {  	vm2 =	vgt.f32 v5, $0.0e+00;
	vm1 =	vmneg vm1  }
0x3b: {  	vm8 =	vgt.f32 v5, $1.000000010e-01;
	v6 =	vsel vm2, $0x1, v3;
	v44 =	vsel vm1, $0xFFFFFFFF, v3  }
0x3c: {  	vm9 =	vgt.f32 v5, $1.500000060e-01;
	v8 =	vsel vm8, $0x1, v3;
	v6 =	vadd.s32 v6, v44  }
0x3d: {  	vm10 =	vgt.f32 v5, $2.000000030e-01;
	v45 =	vsel vm9, $0x1, v3;
	v6 =	vadd.s32 v8, v6  }
0x3e: {  	vm11 =	vgt.f32 v5, $2.500000000e-01;
	v46 =	vsel vm10, $0x1, v3;
	v6 =	vadd.s32 v45, v6  }
0x3f: {  	vm12 =	vgt.f32 v5, $3.000000120e-01;
	v47 =	vsel vm11, $0x1, v3;
	v6 =	vadd.s32 v46, v6  }
0x40: {  	vm13 =	vgt.f32 v5, $3.499999940e-01;
	v48 =	vsel vm12, $0x1, v3;
	v6 =	vadd.s32 v47, v6  }
0x41: {  	vm14 =	vgt.f32 v5, $4.000000060e-01;
	v49 =	vsel vm13, $0x1, v3;
	v6 =	vadd.s32 v48, v6  }
0x42: {  	vm15 =	vgt.f32 v5, $4.499999880e-01;
	v50 =	vsel vm14, $0x1, v3;
	v6 =	vadd.s32 v49, v6  }
0x43: {  	vm4 =	vgt.f32 v5, $5.000000000e-01;
	v51 =	vsel vm15, $0x1, v3;
	v6 =	vadd.s32 v50, v6  }
0x44: {  	vm5 =	vgt.f32 v5, $5.500000120e-01;
	v52 =	vsel vm4, $0x1, v3;
	v6 =	vadd.s32 v51, v6  }
0x45: {  	vm6 =	vgt.f32 v5, $6.000000240e-01;
	v53 =	vsel vm5, $0x1, v3;
	v6 =	vadd.s32 v52, v6  }
0x46: {  	vm7 =	vgt.f32 v5, $6.499999760e-01;
	v54 =	vsel vm6, $0x1, v3;
	v6 =	vadd.s32 v53, v6  }
0x47: {  	v55 =	vsel vm7, $0x1, v3;
	vm8 =	vgt.f32 v5, $6.999999880e-01;
	v6 =	vadd.s32 v54, v6  }
0x48: {  	vm9 =	vgt.f32 v5, $7.500000000e-01;
	v56 =	vsel vm8, $0x1, v3;
	v6 =	vadd.s32 v55, v6  }
0x49: {  	vm10 =	vgt.f32 v5, $8.000000110e-01;
	v57 =	vsel vm9, $0x1, v3;
	v6 =	vadd.s32 v56, v6  }
0x4a: {  	vm11 =	vgt.f32 v5, $8.500000230e-01;
	v58 =	vsel vm10, $0x1, v3;
	v6 =	vadd.s32 v57, v6  }
0x4b: {  	vm12 =	vgt.f32 v5, $8.999999760e-01;
	v59 =	vsel vm11, $0x1, v3;
	v6 =	vadd.s32 v58, v6  }
0x4c: {  	vm13 =	vgt.f32 v5, $9.499999880e-01;
	v60 =	vsel vm12, $0x1, v3;
	v6 =	vadd.s32 v59, v6  }
0x4d: {  	vm14 =	vgt.f32 v5, $1.000000000e+00;
	v61 =	vsel vm13, $0x1, v3;
	v6 =	vadd.s32 v60, v6  }
0x4e: {  	v62 =	vsel vm14, $0x1, v3;
	v6 =	vadd.s32 v61, v6  }
0x4f: {  	v6 =	vadd.s32 v62, v6  }
0x50: {  	vm15 =	vlt.u32 v6, $0x14  }
0x51: {  	v63 =	vld [tilespmem:s29+$0x8000];
	v6 =	vnsel vm15, $0x0, v6  }
0x52: {  	s28 =	sadd.s32 $0x1, s28  }
0x53: {  	p0 =	sne.s32 s28, $0x8  }
.Ltmp3:
0x54: {  	_ = 	snop;
	(pc) =	sbr.rel @p0 .LBB2_3-.Ltmp3, $4  }
0x55: {  	v4 =	vsel vm0, s30, v4  }
0x56: {  	vm0 =	veq.s32 v4, v63;
	[tilespmem:v6+s18+$0x0] =	vst.idx.add.f32.msk vm15, v2  }
0x57: {  	v4 =	vsel vm0, $0x3F800000, v0;
	[tilespmem:v6+s19+$0x0] =	vst.idx.add.f32.msk vm15, v5  }
0x58: {  	[tilespmem:v6+s20+$0x0] =	vst.idx.add.f32.msk vm15, v4  }
0x59: {  	s26 =	sshll.u32 s25, $0x8;
	p0 =	seq.s32 s25, $0x18  }
0x5a: {  	s0 =	sadd.s32 @!p0 s26, s9  }
0x5b: {  	s28 =	sshll.u32 @!p0 s0, $0x4  }
0x5c: {  	s29 =	simm.s32 @!p0 $0x0;
	s0 =	sshrl.u32 @!p0 s0, $0x3;
	s28 =	sadd.s32 @!p0 s4, s28  }
0x5d: {  	[tilespmem:s29], [sflag:$0x1] =	stream.linear.gather @!p0 [hbm4b:s28+s29], $0x4000, $0x38;
	[tilespmem:$0x8300] =	vst v63  }
0x5e: {  	s0 =	sadd.s32 @!p0 s2, s0;
	s28 =	simm.s32 @!p0 $0x8000  }
0x5f: {  	[tilespmem:s28], [sflag:$0x3] =	stream.linear.gather @!p0 [hbm4b:s0+s29], $0x80, $0x38;
	[tilespmem:$0x8300] =	vst v63  }
0x60: {  	_ =	swait.ge [sflag:s21], $0x4000  }
0x61: {  	[sflag:s21] =	ssyncset.done $0x0  }
0x62: {  	[sflag:s21] =	ssyncadd.s32 $0xFFFFC000  }
0x63: {  	_ =	swait.ge [sflag:s22], $0x80  }
0x64: {  	[sflag:s22] =	ssyncset.done $0x0  }
0x65: {  	s28 =	simm.s32 $0x0;
	s29 =	simm.s32 $0x0;
	[sflag:s22] =	ssyncadd.s32 $0xFFFFFF80  }
.LBB2_7:
0x66: {  	s30 =	sshll.u32 s29, $0x4  }
0x67: {  	v4 =	vmov s30  }
0x68: {  	v4 =	vshll.u32 v4, $0x7  }
0x69: {  	v7 =	vor.u32 v1, v4;
	_ =	sdelay $0x3  }
0x6a: {  	v6 =	vor.u32 $0x1, v7  }
0x6b: {  	v5 =	vimm.f32 $-Inf;
	s0 =	simm.s32 $0x1;
	s31 =	simm.s32 $0x0;
	v4 =	vimm.s32 $0x0;
	v8 =	vadd.s32 s28, v6;
	v7 =	vld.idx.msk [tilespmem:v7+s14+$0x0], $0xffff  }
.LBB2_8:
0x6c: {  	p1 =	sne.s32 s0, $0x63  }
.Ltmp4:
0x6d: {  	_ = 	snop;
	(pc) =	sbr.rel @p1 .LBB2_8-.Ltmp4, $3  }
0x6e: {  	_ =	sdelay $0x1  }
0x6f: {  	s1 =	smov.u32 s0;
	s0 =	sadd.s32 $0x1, s0;
	vm0 =	vgt.f32 v7, v5;
	v9 =	vmov v7;
	v7 =	vld.idx.msk [tilespmem:v8+s14+$0x0], $0xffff  }
0x70: {  	v8 =	vadd.s32 s1, v6;
	v5 =	vsel vm0, v9, v5;
	v4 =	vsel vm0, s31, v4;
	s31 =	smov.u32 s1  }
0x71: {  	_ =	sdelay $0x2  }
0x72: {  	vm0 =	vgt.f32 v7, v5  }
0x73: {  	v5 =	vsel vm0, v7, v5  }
0x74: {  	vm1 =	vgt.f32 v5, $5.000000070e-02  }
0x75: {  	vm2 =	vgt.f32 v5, $0.0e+00;
	vm1 =	vmneg vm1  }
0x76: {  	vm8 =	vgt.f32 v5, $1.000000010e-01;
	v6 =	vsel vm2, $0x1, v3;
	v44 =	vsel vm1, $0xFFFFFFFF, v3  }
0x77: {  	vm9 =	vgt.f32 v5, $1.500000060e-01;
	v8 =	vsel vm8, $0x1, v3;
	v6 =	vadd.s32 v6, v44  }
0x78: {  	vm10 =	vgt.f32 v5, $2.000000030e-01;
	v45 =	vsel vm9, $0x1, v3;
	v6 =	vadd.s32 v8, v6  }
0x79: {  	vm11 =	vgt.f32 v5, $2.500000000e-01;
	v46 =	vsel vm10, $0x1, v3;
	v6 =	vadd.s32 v45, v6  }
0x7a: {  	vm12 =	vgt.f32 v5, $3.000000120e-01;
	v47 =	vsel vm11, $0x1, v3;
	v6 =	vadd.s32 v46, v6  }
0x7b: {  	vm13 =	vgt.f32 v5, $3.499999940e-01;
	v48 =	vsel vm12, $0x1, v3;
	v6 =	vadd.s32 v47, v6  }
0x7c: {  	vm14 =	vgt.f32 v5, $4.000000060e-01;
	v49 =	vsel vm13, $0x1, v3;
	v6 =	vadd.s32 v48, v6  }
0x7d: {  	vm15 =	vgt.f32 v5, $4.499999880e-01;
	v50 =	vsel vm14, $0x1, v3;
	v6 =	vadd.s32 v49, v6  }
0x7e: {  	vm4 =	vgt.f32 v5, $5.000000000e-01;
	v51 =	vsel vm15, $0x1, v3;
	v6 =	vadd.s32 v50, v6  }
0x7f: {  	vm5 =	vgt.f32 v5, $5.500000120e-01;
	v52 =	vsel vm4, $0x1, v3;
	v6 =	vadd.s32 v51, v6  }
0x80: {  	vm6 =	vgt.f32 v5, $6.000000240e-01;
	v53 =	vsel vm5, $0x1, v3;
	v6 =	vadd.s32 v52, v6  }
0x81: {  	vm7 =	vgt.f32 v5, $6.499999760e-01;
	v54 =	vsel vm6, $0x1, v3;
	v6 =	vadd.s32 v53, v6  }
0x82: {  	v55 =	vsel vm7, $0x1, v3;
	vm8 =	vgt.f32 v5, $6.999999880e-01;
	v6 =	vadd.s32 v54, v6  }
0x83: {  	vm9 =	vgt.f32 v5, $7.500000000e-01;
	v56 =	vsel vm8, $0x1, v3;
	v6 =	vadd.s32 v55, v6  }
0x84: {  	vm10 =	vgt.f32 v5, $8.000000110e-01;
	v57 =	vsel vm9, $0x1, v3;
	v6 =	vadd.s32 v56, v6  }
0x85: {  	vm11 =	vgt.f32 v5, $8.500000230e-01;
	v58 =	vsel vm10, $0x1, v3;
	v6 =	vadd.s32 v57, v6  }
0x86: {  	vm12 =	vgt.f32 v5, $8.999999760e-01;
	v59 =	vsel vm11, $0x1, v3;
	v6 =	vadd.s32 v58, v6  }
0x87: {  	vm13 =	vgt.f32 v5, $9.499999880e-01;
	v60 =	vsel vm12, $0x1, v3;
	v6 =	vadd.s32 v59, v6  }
0x88: {  	vm14 =	vgt.f32 v5, $1.000000000e+00;
	v61 =	vsel vm13, $0x1, v3;
	v6 =	vadd.s32 v60, v6  }
0x89: {  	v62 =	vsel vm14, $0x1, v3;
	v6 =	vadd.s32 v61, v6  }
0x8a: {  	v6 =	vadd.s32 v62, v6  }
0x8b: {  	vm15 =	vlt.u32 v6, $0x14  }
0x8c: {  	v63 =	vld [tilespmem:s30+$0x8080];
	v6 =	vnsel vm15, $0x0, v6  }
0x8d: {  	s29 =	sadd.s32 $0x1, s29  }
0x8e: {  	p1 =	sne.s32 s29, $0x8  }
.Ltmp5:
0x8f: {  	_ = 	snop;
	(pc) =	sbr.rel @p1 .LBB2_7-.Ltmp5, $4  }
0x90: {  	v4 =	vsel vm0, s31, v4  }
0x91: {  	vm0 =	veq.s32 v4, v63;
	[tilespmem:v6+s18+$0x0] =	vst.idx.add.f32.msk vm15, v2  }
0x92: {  	v4 =	vsel vm0, $0x3F800000, v0;
	[tilespmem:v6+s19+$0x0] =	vst.idx.add.f32.msk vm15, v5  }
0x93: {  	[tilespmem:v6+s20+$0x0] =	vst.idx.add.f32.msk vm15, v4  }
.Ltmp6:
0x94: {  	(pc) =	sbr.rel @p0 .LBB2_12-.Ltmp6, $1  }
0x95: {  	_ =	sdelay $0x3  }
0x96: {  	s0 =	sadd.s32 s26, s10  }
.Ltmp7:
0x97: {  	s1 =	sshll.u32 s0, $0x4;
	(pc) =	sbr.rel .LBB2_2-.Ltmp7, $4  }
0x98: {  	s0 =	sshrl.u32 s0, $0x3;
	s1 =	sadd.s32 s4, s1  }
0x99: {  	[tilespmem:s14], [sflag:$0x2] =	stream.linear.gather [hbm4b:s1+s3], $0x4000, $0x38;
	[tilespmem:$0x8300] =	vst v63  }
0x9a: {  	s25 =	sadd.s32 $0x1, s25;
	s0 =	sadd.s32 s2, s0  }
0x9b: {  	[tilespmem:s15], [sflag:$0x4] =	stream.linear.gather [hbm4b:s0+s3], $0x80, $0x38;
	[tilespmem:$0x8300] =	vst v63  }
.LBB2_13:
0x9c: {  	_ =	sfence.sel $0x180000  }
0x9d: {  	[bflag:$0x0] =	sbarrier.arrive $0xFFFF  }
0x9e: {  	_ =	strace $0x90000047  }
0x9f: {  	s0 =	stileid.u32;
	[bflag:$0x2] =	sbarrier.arrive $0xFFFF  }
0xa0: {  	p0 =	sne.s32 s0, $0x0;
	s0 =	rddreg [dreg:$0x2]  }
0xa1: {  	s0 =	sadd.s32 @!p0 $0x100000, s0  }
0xa2: {  	[sflag:s0] =	ssyncadd.tile.s32 @!p0 $0x1;
	_ =	shalt  }
.Lfunc_end2:
_tile_overlayer_lowered:
.L_overlay_start_2:
0xa3: {  	(tag) =	ssettag $0x2  }
0xa4: {  	s0 =	rddreg [dreg:$0x0];
	s2 =	stileid.u32  }
0xa5: {  	s1 =	rddreg [dreg:$0x1];
	p0 =	sne.s32 s2, $0x0  }
0xa6: {  	s3 =	rddreg [dreg:$0x2];
	[bflag:$0x3] =	sbarrier.arrive $0xFFFF;
	s2 =	simm.s32 @!p0 $0x1C05  }
0xa7: {  	[timem:s3], [sflag:s2] =	dma.local @!p0 [hbm:s0], s1  }
0xa8: {  	s0 =	simm.s32 @!p0 $0x5  }
0xa9: {  	_ =	swait.ge @!p0 [sflag:s0], s1  }
0xaa: {  	s1 =	ssub.s32 @!p0 $0x0, s1;
	[sflag:s0] =	ssyncset.done @!p0 $0x0  }
0xab: {  	[sflag:s0] =	ssyncadd.s32 @!p0 s1  }
0xac: {  	[bflag:$0x3] =	sbarrier.arrive $0xFFFF  }
0xad: {  	_ =	shalt  }

</sc_bundles>
